<compile_context>
chip_gen: v7x
topology: tpu7x:2x2x1
jax: 0.10.2.dev20260603
libtpu: 0.0.44.dev20260713+nightly
codegen_flags: <defaults>
</compile_context>

<pallas_src>
import jax
import jax.numpy as jnp
from jax import lax
from jax.experimental import pallas as pl
from jax.experimental.pallas import tpu as pltpu
from jax.experimental.pallas import tpu_sc as plsc

_E = 16
_CAP = 1280
_T = 16384
_D = 2048
_HALF = _CAP // 2
_CHUNK = 8
_NCHUNK = _HALF // _CHUNK
_NVEC = _T // 16
_LIST = _CAP + 32


def _body(x_hbm, ids_hbm, ew_hbm, z_hbm,
          out_x, out_w, out_ti, out_d,
          ids_v, list_v, idxc_v, buf0_v, buf1_v, buf2_v, buf3_v, zbuf_v,
          wbuf_v, tibuf_v, dvec_v, kept_smem,
          gsem0, gsem1, gsem2, gsem3, wsem0, wsem1, wsem2, wsem3,
          zsem, esem, ssem):
  e = lax.axis_index("s")
  half = (lax.axis_index("s") + lax.axis_index("c")) % 2
  iota = lax.iota(jnp.int32, 16)

  kept_smem[0] = 0
  plsc.subcore_barrier()

  pltpu.sync_copy(ids_hbm, ids_v)
  pltpu.sync_copy(z_hbm, zbuf_v)

  def scan_step(i, cnt_vec):
    for u in range(2):
      base = (i * 2 + u) * 16
      ids16 = ids_v[pl.ds(base, 16)]
      m = ids16 == e
      mi = m.astype(jnp.int32)
      cs = plsc.cumsum(mi)
      tot = plsc.all_reduce_population_count(m)
      rank = cnt_vec + cs - 1
      dest = jnp.where(jnp.logical_and(m, rank < _CAP), rank, _CAP)
      plsc.store_scatter(list_v, [dest], iota + base)
      cnt_vec = cnt_vec + tot
    return cnt_vec

  cnt_vec = lax.fori_loop(0, _NVEC // 2, scan_step,
                          jnp.zeros((16,), jnp.int32))
  count = jnp.max(cnt_vec)

  n_kept = jnp.minimum(count, _CAP)
  v = jnp.clip(n_kept - half * _HALF, 0, _HALF)

  plsc.fetch_and_add(kept_smem.at[0], n_kept, subcore_id=0)
  plsc.subcore_barrier()

  @pl.when(jnp.logical_and(e == 0, half == 0))
  def _():
    kept = kept_smem[0]
    dvec_v[...] = jnp.full((16,), _T - kept, jnp.int32)
    pltpu.sync_copy(dvec_v, out_d)

  def idx_step(j, _):
    jglob = iota + j * 16
    valid = jglob < v
    idx16 = list_v[pl.ds(half * _HALF + j * 16, 16)]
    idxc_v[pl.ds(j * 16, 16)] = jnp.where(valid, idx16, 0)
    tibuf_v[pl.ds(j * 16, 16)] = jnp.where(valid, idx16, -1)
    return 0

  lax.fori_loop(0, _HALF // 16, idx_step, 0)

  base_out = e * _CAP + half * _HALF
  nfull = v // _CHUNK
  rem = v - nfull * _CHUNK

  def g_issue(c, buf, sem):
    pltpu.async_copy(x_hbm.at[idxc_v.at[pl.ds(c * _CHUNK, _CHUNK)]], buf, sem)

  def g_wait(buf, sem):
    pltpu.make_async_copy(x_hbm.at[idxc_v.at[pl.ds(0, _CHUNK)]],
                          buf, sem).wait()

  def w_issue(c, buf, sem):
    pltpu.async_copy(buf, out_x.at[pl.ds(base_out + c * _CHUNK, _CHUNK)], sem)

  def w_wait(buf, sem):
    pltpu.make_async_copy(buf, out_x.at[pl.ds(base_out, _CHUNK)], sem).wait()

  bufs = (buf0_v, buf1_v, buf2_v, buf3_v)
  gsems = (gsem0, gsem1, gsem2, gsem3)
  wsems = (wsem0, wsem1, wsem2, wsem3)

  for b in range(4):
    @pl.when(b < nfull)
    def _(b=b):
      g_issue(b, bufs[b], gsems[b])


  for g in range(_HALF // 128):
    pltpu.async_copy(ew_hbm.at[idxc_v.at[pl.ds(g * 128, 128)]],
                     wbuf_v.at[pl.ds(g * 128, 128)], esem)
  for g in range(_HALF // 128):
    pltpu.make_async_copy(ew_hbm.at[idxc_v.at[pl.ds(g * 128, 128)]],
                          wbuf_v.at[pl.ds(g * 128, 128)], esem).wait()

  def wmask_step(j, _):
    jglob = iota + j * 16
    w16 = wbuf_v[pl.ds(j * 16, 16)]
    wbuf_v[pl.ds(j * 16, 16)] = jnp.where(jglob < v, w16, 0.0)
    return 0

  lax.fori_loop(0, _HALF // 16, wmask_step, 0)

  pltpu.sync_copy(wbuf_v, out_w.at[pl.ds(base_out, _HALF)])
  pltpu.sync_copy(tibuf_v, out_ti.at[pl.ds(base_out, _HALF)])

  def group_step(gi, _):
    cbase = gi * 4
    for b in range(4):
      c = cbase + b

      @pl.when(c < nfull)
      def _(b=b, c=c):
        g_wait(bufs[b], gsems[b])
        w_issue(c, bufs[b], wsems[b])

        @pl.when(c + 4 < nfull)
        def _():
          w_wait(bufs[b], wsems[b])
          g_issue(c + 4, bufs[b], gsems[b])

      del c
    return 0

  ngroups = (nfull + 3) // 4
  lax.fori_loop(0, ngroups, group_step, 0)

  for b in range(4):
    @pl.when(b < nfull)
    def _(b=b):
      w_wait(bufs[b], wsems[b])

  @pl.when(rem > 0)
  def _():
    g_issue(nfull, buf0_v, gsem0)
    g_wait(buf0_v, gsem0)
    dst = base_out + nfull * _CHUNK

    def row_step(r, _):
      @pl.when(r < rem)
      def _():
        pltpu.async_copy(buf0_v.at[pl.ds(r, 1)],
                         out_x.at[pl.ds(dst + r, 1)], ssem)

      @pl.when(r >= rem)
      def _():
        pltpu.async_copy(zbuf_v.at[pl.ds(r, 1)],
                         out_x.at[pl.ds(dst + r, 1)], ssem)
      return 0

    lax.fori_loop(0, _CHUNK, row_step, 0)

  zstart = nfull + jnp.where(rem > 0, 1, 0).astype(jnp.int32)

  def zwave(wv, _):
    c = zstart + wv * 4
    for k in range(4):
      @pl.when(c + k < _NCHUNK)
      def _(k=k):
        pltpu.async_copy(zbuf_v,
                         out_x.at[pl.ds(base_out + (c + k) * _CHUNK, _CHUNK)],
                         zsem)
    for k in range(4):
      @pl.when(c + k < _NCHUNK)
      def _(k=k):
        pltpu.make_async_copy(zbuf_v,
                              out_x.at[pl.ds(base_out, _CHUNK)], zsem).wait()
    return 0

  lax.fori_loop(0, _NCHUNK // 4, zwave, 0)

  @pl.when(rem > 0)
  def _():
    def row_drain(r, _):
      pltpu.make_async_copy(zbuf_v.at[pl.ds(0, 1)],
                            out_x.at[pl.ds(base_out, 1)], ssem).wait()
      return 0

    lax.fori_loop(0, _CHUNK, row_drain, 0)


@jax.jit
def _dispatch(x, expert_ids, expert_weights):
  z = jnp.zeros((_CHUNK, _D), jnp.float32)
  mesh = plsc.VectorSubcoreMesh(core_axis_name="c", subcore_axis_name="s",
                                num_cores=2, num_subcores=16)
  fn = pl.kernel(
      _body,
      out_type=(
          jax.ShapeDtypeStruct((_E * _CAP, _D), jnp.float32),
          jax.ShapeDtypeStruct((_E * _CAP,), jnp.float32),
          jax.ShapeDtypeStruct((_E * _CAP,), jnp.int32),
          jax.ShapeDtypeStruct((16,), jnp.int32),
      ),
      mesh=mesh,
      compiler_params=pltpu.CompilerParams(needs_layout_passes=False),
      scratch_types=[
          pltpu.VMEM((_T,), jnp.int32),
          pltpu.VMEM((_LIST,), jnp.int32),
          pltpu.VMEM((_HALF,), jnp.int32),
          pltpu.VMEM((_CHUNK, _D), jnp.float32),
          pltpu.VMEM((_CHUNK, _D), jnp.float32),
          pltpu.VMEM((_CHUNK, _D), jnp.float32),
          pltpu.VMEM((_CHUNK, _D), jnp.float32),
          pltpu.VMEM((_CHUNK, _D), jnp.float32),
          pltpu.VMEM((_HALF,), jnp.float32),
          pltpu.VMEM((_HALF,), jnp.int32),
          pltpu.VMEM((16,), jnp.int32),
          pltpu.SMEM((1,), jnp.int32),
          pltpu.SemaphoreType.DMA,
          pltpu.SemaphoreType.DMA,
          pltpu.SemaphoreType.DMA,
          pltpu.SemaphoreType.DMA,
          pltpu.SemaphoreType.DMA,
          pltpu.SemaphoreType.DMA,
          pltpu.SemaphoreType.DMA,
          pltpu.SemaphoreType.DMA,
          pltpu.SemaphoreType.DMA,
          pltpu.SemaphoreType.DMA,
          pltpu.SemaphoreType.DMA,
      ],
  )
  return fn(x, expert_ids, expert_weights, z)


def kernel(x, expert_ids, expert_weights):
  out_x, out_w, out_ti, out_d = _dispatch(x, expert_ids, expert_weights)
  return (out_x.reshape(_E, _CAP, _D),
          out_w.reshape(_E, _CAP),
          out_ti.reshape(_E, _CAP),
          out_d[0])

# --- scband reference (transcript-rebuilt; emitter-appended) ---
"""Pipeline reference for scband-triton-expert-dispatch-1322849927639 (READ-ONLY COPY).

The authoritative reference and input builder live on the scoring server;
editing this copy changes nothing except your own understanding.
"""

import jax, jax.numpy as jnp
import numpy as np

NUM_EXPERTS = 16
CAPACITY_FACTOR = 1.25
NUM_TOKENS = 16384
EMBED_DIM = 2048


def setup_inputs(seed: int = 0) -> dict:
    key = jax.random.key(seed)
    k1, k2, k3 = jax.random.split(key, 3)
    x = jax.random.normal(k1, (NUM_TOKENS, EMBED_DIM), dtype=jnp.float32)
    expert_ids = jax.random.randint(k2, (NUM_TOKENS,), 0, NUM_EXPERTS, dtype=jnp.int32)
    expert_weights = jax.random.uniform(k3, (NUM_TOKENS,), dtype=jnp.float32)
    return {"x": x, "expert_ids": expert_ids, "expert_weights": expert_weights}


def reference(x, expert_ids, expert_weights):
    num_tokens, embed_dim = x.shape
    capacity = max(int(num_tokens / NUM_EXPERTS * CAPACITY_FACTOR), 1)
    # position of each token within its expert group (argsort order, matches torch CPU path)
    expert_counts = jnp.bincount(expert_ids, length=NUM_EXPERTS)
    sorted_indices = jnp.argsort(expert_ids)
    sorted_experts = expert_ids[sorted_indices]
    cumsum = jnp.cumsum(expert_counts)
    starts = jnp.concatenate([jnp.zeros(1, dtype=cumsum.dtype), cumsum[:-1]])
    ranks = (jnp.arange(num_tokens, dtype=cumsum.dtype) - starts[sorted_experts]).astype(jnp.int32)
    positions = jnp.zeros(num_tokens, dtype=jnp.int32).at[sorted_indices].set(ranks)
    valid_mask = positions < capacity
    tokens_dropped = jnp.sum(~valid_mask)
    # out-of-capacity tokens get an out-of-bounds position -> dropped by scatter mode='drop'
    safe_pos = jnp.where(valid_mask, positions, capacity)
    dispatched_x = jnp.zeros((NUM_EXPERTS, capacity, embed_dim), dtype=x.dtype).at[expert_ids, safe_pos].set(x, mode="drop")
    combine_weights = jnp.zeros((NUM_EXPERTS, capacity), dtype=x.dtype).at[expert_ids, safe_pos].set(expert_weights, mode="drop")
    token_indices = jnp.full((NUM_EXPERTS, capacity), -1, dtype=jnp.int32).at[expert_ids, safe_pos].set(jnp.arange(num_tokens, dtype=jnp.int32), mode="drop")
    return (dispatched_x, combine_weights, token_indices, tokens_dropped)

if __name__ == "__main__":
    import jax
    _d = setup_inputs()
    print(jax.jit(kernel)(*tuple(_d.values())))

</pallas_src>

<mosaic_0001>
#map = affine_map<(d0, d1) -> (0, 0)>
#map1 = affine_map<(d0, d1) -> (0)>
module attributes {stable_mosaic.version = 14 : i64} {
  func.func @_body(%arg0: i32, %arg1: i32, %arg2: memref<16384x2048xf32, #tpu.memory_space<hbm>>, %arg3: memref<16384xi32, #tpu.memory_space<hbm>>, %arg4: memref<16384xf32, #tpu.memory_space<hbm>>, %arg5: memref<8x2048xf32, #tpu.memory_space<hbm>>, %arg6: memref<20480x2048xf32, #tpu.memory_space<hbm>>, %arg7: memref<20480xf32, #tpu.memory_space<hbm>>, %arg8: memref<20480xi32, #tpu.memory_space<hbm>>, %arg9: memref<16xi32, #tpu.memory_space<hbm>>, %arg10: memref<16384xi32, #tpu.memory_space<vmem>>, %arg11: memref<1312xi32, #tpu.memory_space<vmem>>, %arg12: memref<640xi32, #tpu.memory_space<vmem>>, %arg13: memref<8x2048xf32, #tpu.memory_space<vmem>>, %arg14: memref<8x2048xf32, #tpu.memory_space<vmem>>, %arg15: memref<8x2048xf32, #tpu.memory_space<vmem>>, %arg16: memref<8x2048xf32, #tpu.memory_space<vmem>>, %arg17: memref<8x2048xf32, #tpu.memory_space<vmem>>, %arg18: memref<640xf32, #tpu.memory_space<vmem>>, %arg19: memref<640xi32, #tpu.memory_space<vmem>>, %arg20: memref<16xi32, #tpu.memory_space<vmem>>, %arg21: memref<1xi32, #tpu.memory_space<smem>>, %arg22: memref<!tpu.dma_semaphore, #tpu.memory_space<semaphore_mem>>, %arg23: memref<!tpu.dma_semaphore, #tpu.memory_space<semaphore_mem>>, %arg24: memref<!tpu.dma_semaphore, #tpu.memory_space<semaphore_mem>>, %arg25: memref<!tpu.dma_semaphore, #tpu.memory_space<semaphore_mem>>, %arg26: memref<!tpu.dma_semaphore, #tpu.memory_space<semaphore_mem>>, %arg27: memref<!tpu.dma_semaphore, #tpu.memory_space<semaphore_mem>>, %arg28: memref<!tpu.dma_semaphore, #tpu.memory_space<semaphore_mem>>, %arg29: memref<!tpu.dma_semaphore, #tpu.memory_space<semaphore_mem>>, %arg30: memref<!tpu.dma_semaphore, #tpu.memory_space<semaphore_mem>>, %arg31: memref<!tpu.dma_semaphore, #tpu.memory_space<semaphore_mem>>, %arg32: memref<!tpu.dma_semaphore, #tpu.memory_space<semaphore_mem>>) attributes {dimension_semantics = [#tpu.dimension_semantics<core_parallel>, #tpu.dimension_semantics<subcore_parallel>], iteration_bounds = array<i64: 2, 16>, scalar_prefetch = 0 : i64, scratch_operands = 23 : i64, tpu.core_type = #tpu.core_type<sc_vector_subcore>, window_params = [{transform_indices = #map}, {transform_indices = #map1}, {transform_indices = #map1}, {transform_indices = #map}, {transform_indices = #map}, {transform_indices = #map1}, {transform_indices = #map1}, {transform_indices = #map1}]} {
    %add3A = arith.addi %arg1, %arg0 : i32
    %jit3A = arith.constant 2 : i32
    %eq3A = arith.constant 0 : i32
    %eq3A_0 = arith.cmpi eq, %jit3A, %eq3A : i32
    %jit3A_1 = arith.constant 1 : i32
    %select_n3A = arith.select %eq3A_0, %jit3A_1, %jit3A : i32
    %rem3A = arith.remsi %add3A, %select_n3A : i32
    %ne3A = arith.constant 0 : i32
    %ne3A_2 = arith.cmpi ne, %rem3A, %ne3A : i32
    %lt3A = arith.constant 0 : i32
    %lt3A_3 = arith.cmpi slt, %rem3A, %lt3A : i32
    %lt3A_4 = arith.constant 0 : i32
    %lt3A_5 = arith.cmpi slt, %select_n3A, %lt3A_4 : i32
    %ne3A_6 = arith.xori %lt3A_3, %lt3A_5 : i1
    %and3A = arith.andi %ne3A_6, %ne3A_2 : i1
    %add3A_7 = arith.addi %rem3A, %select_n3A : i32
    %select_n3A_8 = arith.select %and3A, %add3A_7, %rem3A : i32
    %iota3A = tpu.iota {dimensions = array<i32: 0>} : vector<16xi32>
    %swap3A = arith.constant 0 : i32
    %swap3A_9 = arith.constant 0 : i32
    %swap3A_10 = arith.index_cast %swap3A_9 : i32 to index
    %swap3A_11 = memref.load %arg21[%swap3A_10] : memref<1xi32, #tpu.memory_space<smem>>
    memref.store %swap3A, %arg21[%swap3A_10] : memref<1xi32, #tpu.memory_space<smem>>
    %barrier3A = arith.constant 0 : index
    tpu.barrier barrier_id(%barrier3A)
    "tpu.region"() ({
      %run_scoped3A = tpu.sem_alloc : memref<!tpu.dma_semaphore, #tpu.memory_space<semaphore_mem>>
      tpu.enqueue_dma source(%arg3 : memref<16384xi32, #tpu.memory_space<hbm>>) target(%arg10 : memref<16384xi32, #tpu.memory_space<vmem>>) target_semaphore(%run_scoped3A : memref<!tpu.dma_semaphore, #tpu.memory_space<semaphore_mem>>)
      tpu.wait_dma2 semaphore(%run_scoped3A : memref<!tpu.dma_semaphore, #tpu.memory_space<semaphore_mem>>) src(%arg3 : memref<16384xi32, #tpu.memory_space<hbm>>) dst(%arg10 : memref<16384xi32, #tpu.memory_space<vmem>>)
      tpu.yield
    }) : () -> ()
    "tpu.region"() ({
      %run_scoped3A = tpu.sem_alloc : memref<!tpu.dma_semaphore, #tpu.memory_space<semaphore_mem>>
      tpu.enqueue_dma source(%arg5 : memref<8x2048xf32, #tpu.memory_space<hbm>>) target(%arg17 : memref<8x2048xf32, #tpu.memory_space<vmem>>) target_semaphore(%run_scoped3A : memref<!tpu.dma_semaphore, #tpu.memory_space<semaphore_mem>>)
      tpu.wait_dma2 semaphore(%run_scoped3A : memref<!tpu.dma_semaphore, #tpu.memory_space<semaphore_mem>>) src(%arg5 : memref<8x2048xf32, #tpu.memory_space<hbm>>) dst(%arg17 : memref<8x2048xf32, #tpu.memory_space<vmem>>)
      tpu.yield
    }) : () -> ()
    %broadcast_in_dim3A = arith.constant 0 : i32
    %broadcast_in_dim3A_12 = vector.broadcast %broadcast_in_dim3A : i32 to vector<16xi32>
    %scan3A = arith.constant 0 : i32
    %scan3A_13 = arith.constant 512 : i32
    %scan3A_14 = arith.addi %scan3A, %scan3A_13 : i32
    %scan3A_15 = arith.constant 1 : i32
    %scan3A_16 = scf.for %scan3A_240 = %scan3A to %scan3A_14 step %scan3A_15 iter_args(%scan3A_241 = %broadcast_in_dim3A_12) -> (vector<16xi32>)  : i32 {
      %mul3A_242 = arith.constant 2 : i32
      %mul3A_243 = arith.muli %scan3A_240, %mul3A_242 : i32
      %add3A_244 = arith.constant 0 : i32
      %add3A_245 = arith.addi %mul3A_243, %add3A_244 : i32
      %mul3A_246 = arith.constant 16 : i32
      %mul3A_247 = arith.muli %add3A_245, %mul3A_246 : i32
      %get3A = arith.index_cast %mul3A_247 : i32 to index
      %get3A_248 = tpu.vector_load %arg10[%get3A] {strides = array<i32>} : memref<16384xi32, #tpu.memory_space<vmem>>, vector<16xi32>,
      %eq3A_249 = vector.broadcast %arg1 : i32 to vector<16xi32>
      %eq3A_250 = arith.cmpi eq, %get3A_248, %eq3A_249 : vector<16xi32>
      %convert_element_type3A_251 = arith.extui %eq3A_250 : vector<16xi1> to vector<16xi32>
      %broadcast_in_dim3A_252 = arith.constant true
      %broadcast_in_dim3A_253 = vector.broadcast %broadcast_in_dim3A_252 : i1 to vector<16xi1>
      %masked_cumsum3A = tpu.scan <sum>, %convert_element_type3A_251 masked %broadcast_in_dim3A_253 : vector<16xi32>, vector<16xi1> -> vector<16xi32>
      %all_reduce_population_count3A = tpu.all_reduce %eq3A_250 {dim = 0 : i64, kind = #tpu.reduction_kind<sum>} : vector<16xi1> -> vector<16xi32>
      %add3A_254 = arith.addi %scan3A_241, %masked_cumsum3A : vector<16xi32>
      %sub3A_255 = arith.constant 1 : i32
      %sub3A_256 = vector.broadcast %sub3A_255 : i32 to vector<16xi32>
      %sub3A_257 = arith.subi %add3A_254, %sub3A_256 : vector<16xi32>
      %lt3A_258 = arith.constant 1280 : i32
      %lt3A_259 = vector.broadcast %lt3A_258 : i32 to vector<16xi32>
      %lt3A_260 = arith.cmpi slt, %sub3A_257, %lt3A_259 : vector<16xi32>
      %and3A_261 = arith.andi %eq3A_250, %lt3A_260 : vector<16xi1>
      %jit3A_262 = arith.constant 1280 : i32
      %broadcast_in_dim3A_263 = vector.broadcast %jit3A_262 : i32 to vector<16xi32>
      %select_n3A_264 = arith.select %and3A_261, %sub3A_257, %broadcast_in_dim3A_263 : vector<16xi1>, vector<16xi32>
      %add3A_265 = vector.broadcast %mul3A_247 : i32 to vector<16xi32>
      %add3A_266 = arith.addi %iota3A, %add3A_265 : vector<16xi32>
      tpu.vector_store_idx %arg11[%select_n3A_264], %add3A_266 : memref<1312xi32, #tpu.memory_space<vmem>>[vector<16xi32>], vector<16xi32>,
      %add3A_267 = arith.addi %scan3A_241, %all_reduce_population_count3A : vector<16xi32>
      %mul3A_268 = arith.constant 2 : i32
      %mul3A_269 = arith.muli %scan3A_240, %mul3A_268 : i32
      %add3A_270 = arith.constant 1 : i32
      %add3A_271 = arith.addi %mul3A_269, %add3A_270 : i32
      %mul3A_272 = arith.constant 16 : i32
      %mul3A_273 = arith.muli %add3A_271, %mul3A_272 : i32
      %get3A_274 = arith.index_cast %mul3A_273 : i32 to index
      %get3A_275 = tpu.vector_load %arg10[%get3A_274] {strides = array<i32>} : memref<16384xi32, #tpu.memory_space<vmem>>, vector<16xi32>,
      %eq3A_276 = vector.broadcast %arg1 : i32 to vector<16xi32>
      %eq3A_277 = arith.cmpi eq, %get3A_275, %eq3A_276 : vector<16xi32>
      %convert_element_type3A_278 = arith.extui %eq3A_277 : vector<16xi1> to vector<16xi32>
      %broadcast_in_dim3A_279 = arith.constant true
      %broadcast_in_dim3A_280 = vector.broadcast %broadcast_in_dim3A_279 : i1 to vector<16xi1>
      %masked_cumsum3A_281 = tpu.scan <sum>, %convert_element_type3A_278 masked %broadcast_in_dim3A_280 : vector<16xi32>, vector<16xi1> -> vector<16xi32>
      %all_reduce_population_count3A_282 = tpu.all_reduce %eq3A_277 {dim = 0 : i64, kind = #tpu.reduction_kind<sum>} : vector<16xi1> -> vector<16xi32>
      %add3A_283 = arith.addi %add3A_267, %masked_cumsum3A_281 : vector<16xi32>
      %sub3A_284 = arith.constant 1 : i32
      %sub3A_285 = vector.broadcast %sub3A_284 : i32 to vector<16xi32>
      %sub3A_286 = arith.subi %add3A_283, %sub3A_285 : vector<16xi32>
      %lt3A_287 = arith.constant 1280 : i32
      %lt3A_288 = vector.broadcast %lt3A_287 : i32 to vector<16xi32>
      %lt3A_289 = arith.cmpi slt, %sub3A_286, %lt3A_288 : vector<16xi32>
      %and3A_290 = arith.andi %eq3A_277, %lt3A_289 : vector<16xi1>
      %jit3A_291 = arith.constant 1280 : i32
      %broadcast_in_dim3A_292 = vector.broadcast %jit3A_291 : i32 to vector<16xi32>
      %select_n3A_293 = arith.select %and3A_290, %sub3A_286, %broadcast_in_dim3A_292 : vector<16xi1>, vector<16xi32>
      %add3A_294 = vector.broadcast %mul3A_273 : i32 to vector<16xi32>
      %add3A_295 = arith.addi %iota3A, %add3A_294 : vector<16xi32>
      tpu.vector_store_idx %arg11[%select_n3A_293], %add3A_295 : memref<1312xi32, #tpu.memory_space<vmem>>[vector<16xi32>], vector<16xi32>,
      %add3A_296 = arith.addi %add3A_267, %all_reduce_population_count3A_282 : vector<16xi32>
      scf.yield %add3A_296 : vector<16xi32>
    }
    %scan3A_17 = arith.constant 512 : i32
    %reduce_max3A = arith.constant true
    %reduce_max3A_18 = vector.broadcast %reduce_max3A : i1 to vector<16xi1>
    %reduce_max3A_19 = arith.constant -2147483648 : i32
    %reduce_max3A_20 = vector.broadcast %reduce_max3A_19 : i32 to vector<16xi32>
    %reduce_max3A_21 = arith.xori %scan3A_16, %reduce_max3A_20 : vector<16xi32>
    %reduce_max3A_22 = tpu.scan <max>, %reduce_max3A_21 masked %reduce_max3A_18 : vector<16xi32>, vector<16xi1> -> vector<16xi32>
    %reduce_max3A_23 = arith.xori %reduce_max3A_22, %reduce_max3A_20 : vector<16xi32>
    %reduce_max3A_24 = vector.extract %reduce_max3A_23[15] : i32 from vector<16xi32>
    %min3A = arith.constant 1280 : i32
    %min3A_25 = arith.minsi %reduce_max3A_24, %min3A : i32
    %mul3A = arith.constant 640 : i32
    %mul3A_26 = arith.muli %select_n3A_8, %mul3A : i32
    %sub3A = arith.subi %min3A_25, %mul3A_26 : i32
    %jit3A_27 = arith.constant 0 : i32
    %jit3A_28 = arith.constant 640 : i32
    %max3A = arith.maxsi %jit3A_27, %sub3A : i32
    %min3A_29 = arith.minsi %jit3A_28, %max3A : i32
    %sc_fetch_and_add3A = arith.constant 0 : i32
    %sc_fetch_and_add3A_30 = arith.constant 0 : i32
    %sc_fetch_and_add3A_31 = tpu.fetch_and_add_sync %arg21[%sc_fetch_and_add3A], %min3A_25, %sc_fetch_and_add3A_30 : memref<1xi32, #tpu.memory_space<smem>>, i32 -> i32
    %barrier3A_32 = arith.constant 0 : index
    tpu.barrier barrier_id(%barrier3A_32)
    %eq3A_33 = arith.constant 0 : i32
    %eq3A_34 = arith.cmpi eq, %arg1, %eq3A_33 : i32
    %eq3A_35 = arith.constant 0 : i32
    %eq3A_36 = arith.cmpi eq, %select_n3A_8, %eq3A_35 : i32
    %and3A_37 = arith.andi %eq3A_34, %eq3A_36 : i1
    %convert_element_type3A = arith.extui %and3A_37 : i1 to i32
    %cond3A = arith.constant 0 : i32
    %cond3A_38 = arith.cmpi ne, %convert_element_type3A, %cond3A : i32
    scf.if %cond3A_38 {
      %get3A = arith.constant 0 : i32
      %get3A_240 = arith.index_cast %get3A : i32 to index
      %get3A_241 = memref.load %arg21[%get3A_240] : memref<1xi32, #tpu.memory_space<smem>>
      %sub3A_242 = arith.constant 16384 : i32
      %sub3A_243 = arith.subi %sub3A_242, %get3A_241 : i32
      %broadcast_in_dim3A_244 = vector.broadcast %sub3A_243 : i32 to vector<16xi32>
      %swap3A_245 = arith.constant 0 : index
      %swap3A_246 = tpu.vector_load %arg20[%swap3A_245] {strides = array<i32>} : memref<16xi32, #tpu.memory_space<vmem>>, vector<16xi32>,
      tpu.vector_store %arg20[%swap3A_245], %broadcast_in_dim3A_244 {strides = array<i32>} : memref<16xi32, #tpu.memory_space<vmem>>, vector<16xi32>,
      "tpu.region"() ({
        %run_scoped3A = tpu.sem_alloc : memref<!tpu.dma_semaphore, #tpu.memory_space<semaphore_mem>>
        tpu.enqueue_dma source(%arg20 : memref<16xi32, #tpu.memory_space<vmem>>) target(%arg9 : memref<16xi32, #tpu.memory_space<hbm>>) target_semaphore(%run_scoped3A : memref<!tpu.dma_semaphore, #tpu.memory_space<semaphore_mem>>)
        tpu.wait_dma2 semaphore(%run_scoped3A : memref<!tpu.dma_semaphore, #tpu.memory_space<semaphore_mem>>) src(%arg20 : memref<16xi32, #tpu.memory_space<vmem>>) dst(%arg9 : memref<16xi32, #tpu.memory_space<hbm>>)
        tpu.yield
      }) : () -> ()
    } else {
    }
    %scan3A_39 = arith.constant 0 : i32
    %scan3A_40 = arith.constant 0 : i32
    %scan3A_41 = arith.constant 40 : i32
    %scan3A_42 = arith.addi %scan3A_40, %scan3A_41 : i32
    %scan3A_43 = arith.constant 1 : i32
    %scan3A_44 = scf.for %scan3A_240 = %scan3A_40 to %scan3A_42 step %scan3A_43 iter_args(%scan3A_241 = %scan3A_39) -> (i32)  : i32 {
      %mul3A_242 = arith.constant 16 : i32
      %mul3A_243 = arith.muli %scan3A_240, %mul3A_242 : i32
      %add3A_244 = vector.broadcast %mul3A_243 : i32 to vector<16xi32>
      %add3A_245 = arith.addi %iota3A, %add3A_244 : vector<16xi32>
      %lt3A_246 = vector.broadcast %min3A_29 : i32 to vector<16xi32>
      %lt3A_247 = arith.cmpi slt, %add3A_245, %lt3A_246 : vector<16xi32>
      %mul3A_248 = arith.constant 640 : i32
      %mul3A_249 = arith.muli %select_n3A_8, %mul3A_248 : i32
      %mul3A_250 = arith.constant 16 : i32
      %mul3A_251 = arith.muli %scan3A_240, %mul3A_250 : i32
      %add3A_252 = arith.addi %mul3A_249, %mul3A_251 : i32
      %get3A = arith.index_cast %add3A_252 : i32 to index
      %get3A_253 = tpu.vector_load %arg11[%get3A] {strides = array<i32>} : memref<1312xi32, #tpu.memory_space<vmem>>, vector<16xi32>,
      %jit3A_254 = arith.constant 0 : i32
      %broadcast_in_dim3A_255 = vector.broadcast %jit3A_254 : i32 to vector<16xi32>
      %select_n3A_256 = arith.select %lt3A_247, %get3A_253, %broadcast_in_dim3A_255 : vector<16xi1>, vector<16xi32>
      %mul3A_257 = arith.constant 16 : i32
      %mul3A_258 = arith.muli %scan3A_240, %mul3A_257 : i32
      %swap3A_259 = arith.index_cast %mul3A_258 : i32 to index
      %swap3A_260 = tpu.vector_load %arg12[%swap3A_259] {strides = array<i32>} : memref<640xi32, #tpu.memory_space<vmem>>, vector<16xi32>,
      tpu.vector_store %arg12[%swap3A_259], %select_n3A_256 {strides = array<i32>} : memref<640xi32, #tpu.memory_space<vmem>>, vector<16xi32>,
      %jit3A_261 = arith.constant -1 : i32
      %broadcast_in_dim3A_262 = vector.broadcast %jit3A_261 : i32 to vector<16xi32>
      %select_n3A_263 = arith.select %lt3A_247, %get3A_253, %broadcast_in_dim3A_262 : vector<16xi1>, vector<16xi32>
      %mul3A_264 = arith.constant 16 : i32
      %mul3A_265 = arith.muli %scan3A_240, %mul3A_264 : i32
      %swap3A_266 = arith.index_cast %mul3A_265 : i32 to index
      %swap3A_267 = tpu.vector_load %arg19[%swap3A_266] {strides = array<i32>} : memref<640xi32, #tpu.memory_space<vmem>>, vector<16xi32>,
      tpu.vector_store %arg19[%swap3A_266], %select_n3A_263 {strides = array<i32>} : memref<640xi32, #tpu.memory_space<vmem>>, vector<16xi32>,
      %scan3A_268 = arith.constant 0 : i32
      scf.yield %scan3A_268 : i32
    }
    %scan3A_45 = arith.constant 40 : i32
    %mul3A_46 = arith.constant 1280 : i32
    %mul3A_47 = arith.muli %arg1, %mul3A_46 : i32
    %mul3A_48 = arith.constant 640 : i32
    %mul3A_49 = arith.muli %select_n3A_8, %mul3A_48 : i32
    %add3A_50 = arith.addi %mul3A_47, %mul3A_49 : i32
    %jit3A_51 = arith.constant 8 : i32
    %div3A = arith.divsi %min3A_29, %jit3A_51 : i32
    %sign3A = arith.constant 0 : i32
    %sign3A_52 = arith.cmpi sgt, %min3A_29, %sign3A : i32
    %sign3A_53 = arith.extui %sign3A_52 : i1 to i32
    %sign3A_54 = arith.constant 0 : i32
    %sign3A_55 = arith.cmpi slt, %min3A_29, %sign3A_54 : i32
    %sign3A_56 = arith.extui %sign3A_55 : i1 to i32
    %sign3A_57 = arith.subi %sign3A_53, %sign3A_56 : i32
    %sign3A_58 = arith.constant 0 : i32
    %sign3A_59 = arith.cmpi sgt, %jit3A_51, %sign3A_58 : i32
    %sign3A_60 = arith.extui %sign3A_59 : i1 to i32
    %sign3A_61 = arith.constant 0 : i32
    %sign3A_62 = arith.cmpi slt, %jit3A_51, %sign3A_61 : i32
    %sign3A_63 = arith.extui %sign3A_62 : i1 to i32
    %sign3A_64 = arith.subi %sign3A_60, %sign3A_63 : i32
    %ne3A_65 = arith.cmpi ne, %sign3A_57, %sign3A_64 : i32
    %rem3A_66 = arith.remsi %min3A_29, %jit3A_51 : i32
    %ne3A_67 = arith.constant 0 : i32
    %ne3A_68 = arith.cmpi ne, %rem3A_66, %ne3A_67 : i32
    %and3A_69 = arith.andi %ne3A_65, %ne3A_68 : i1
    %sub3A_70 = arith.constant 1 : i32
    %sub3A_71 = arith.subi %div3A, %sub3A_70 : i32
    %select_n3A_72 = arith.select %and3A_69, %sub3A_71, %div3A : i32
    %mul3A_73 = arith.constant 8 : i32
    %mul3A_74 = arith.muli %select_n3A_72, %mul3A_73 : i32
    %sub3A_75 = arith.subi %min3A_29, %mul3A_74 : i32
    %gt3A = arith.constant 0 : i32
    %gt3A_76 = arith.cmpi sgt, %select_n3A_72, %gt3A : i32
    %convert_element_type3A_77 = arith.extui %gt3A_76 : i1 to i32
    %cond3A_78 = arith.constant 0 : i32
    %cond3A_79 = arith.cmpi ne, %convert_element_type3A_77, %cond3A_78 : i32
    scf.if %cond3A_79 {
      %dma_start3A_240 = arith.constant 0 : i32
      %dma_start3A_241 = tpu.memref_slice %arg12[%dma_start3A_240] : memref<640xi32, #tpu.memory_space<vmem>> -> memref<8xi32, #tpu.memory_space<vmem>>
      %dma_start3A_242 = arith.constant 0 : i32
      %dma_start3A_243 = arith.constant 0 : i32
      %dma_start3A_244 = tpu.memref_slice %arg2[%dma_start3A_242, %dma_start3A_243] : memref<16384x2048xf32, #tpu.memory_space<hbm>> -> memref<16384x2048xf32, #tpu.memory_space<hbm>>
      tpu.enqueue_indirect_dma source(%dma_start3A_244 : memref<16384x2048xf32, #tpu.memory_space<hbm>>) target(%arg13 : memref<8x2048xf32, #tpu.memory_space<vmem>>) offsets(%dma_start3A_241 : memref<8xi32, #tpu.memory_space<vmem>>) semaphore(%arg22 : memref<!tpu.dma_semaphore, #tpu.memory_space<semaphore_mem>>)
    } else {
    }
    %gt3A_80 = arith.constant 1 : i32
    %gt3A_81 = arith.cmpi sgt, %select_n3A_72, %gt3A_80 : i32
    %convert_element_type3A_82 = arith.extui %gt3A_81 : i1 to i32
    %cond3A_83 = arith.constant 0 : i32
    %cond3A_84 = arith.cmpi ne, %convert_element_type3A_82, %cond3A_83 : i32
    scf.if %cond3A_84 {
      %dma_start3A_240 = arith.constant 8 : i32
      %dma_start3A_241 = tpu.memref_slice %arg12[%dma_start3A_240] : memref<640xi32, #tpu.memory_space<vmem>> -> memref<8xi32, #tpu.memory_space<vmem>>
      %dma_start3A_242 = arith.constant 0 : i32
      %dma_start3A_243 = arith.constant 0 : i32
      %dma_start3A_244 = tpu.memref_slice %arg2[%dma_start3A_242, %dma_start3A_243] : memref<16384x2048xf32, #tpu.memory_space<hbm>> -> memref<16384x2048xf32, #tpu.memory_space<hbm>>
      tpu.enqueue_indirect_dma source(%dma_start3A_244 : memref<16384x2048xf32, #tpu.memory_space<hbm>>) target(%arg14 : memref<8x2048xf32, #tpu.memory_space<vmem>>) offsets(%dma_start3A_241 : memref<8xi32, #tpu.memory_space<vmem>>) semaphore(%arg23 : memref<!tpu.dma_semaphore, #tpu.memory_space<semaphore_mem>>)
    } else {
    }
    %gt3A_85 = arith.constant 2 : i32
    %gt3A_86 = arith.cmpi sgt, %select_n3A_72, %gt3A_85 : i32
    %convert_element_type3A_87 = arith.extui %gt3A_86 : i1 to i32
    %cond3A_88 = arith.constant 0 : i32
    %cond3A_89 = arith.cmpi ne, %convert_element_type3A_87, %cond3A_88 : i32
    scf.if %cond3A_89 {
      %dma_start3A_240 = arith.constant 16 : i32
      %dma_start3A_241 = tpu.memref_slice %arg12[%dma_start3A_240] : memref<640xi32, #tpu.memory_space<vmem>> -> memref<8xi32, #tpu.memory_space<vmem>>
      %dma_start3A_242 = arith.constant 0 : i32
      %dma_start3A_243 = arith.constant 0 : i32
      %dma_start3A_244 = tpu.memref_slice %arg2[%dma_start3A_242, %dma_start3A_243] : memref<16384x2048xf32, #tpu.memory_space<hbm>> -> memref<16384x2048xf32, #tpu.memory_space<hbm>>
      tpu.enqueue_indirect_dma source(%dma_start3A_244 : memref<16384x2048xf32, #tpu.memory_space<hbm>>) target(%arg15 : memref<8x2048xf32, #tpu.memory_space<vmem>>) offsets(%dma_start3A_241 : memref<8xi32, #tpu.memory_space<vmem>>) semaphore(%arg24 : memref<!tpu.dma_semaphore, #tpu.memory_space<semaphore_mem>>)
    } else {
    }
    %gt3A_90 = arith.constant 3 : i32
    %gt3A_91 = arith.cmpi sgt, %select_n3A_72, %gt3A_90 : i32
    %convert_element_type3A_92 = arith.extui %gt3A_91 : i1 to i32
    %cond3A_93 = arith.constant 0 : i32
    %cond3A_94 = arith.cmpi ne, %convert_element_type3A_92, %cond3A_93 : i32
    scf.if %cond3A_94 {
      %dma_start3A_240 = arith.constant 24 : i32
      %dma_start3A_241 = tpu.memref_slice %arg12[%dma_start3A_240] : memref<640xi32, #tpu.memory_space<vmem>> -> memref<8xi32, #tpu.memory_space<vmem>>
      %dma_start3A_242 = arith.constant 0 : i32
      %dma_start3A_243 = arith.constant 0 : i32
      %dma_start3A_244 = tpu.memref_slice %arg2[%dma_start3A_242, %dma_start3A_243] : memref<16384x2048xf32, #tpu.memory_space<hbm>> -> memref<16384x2048xf32, #tpu.memory_space<hbm>>
      tpu.enqueue_indirect_dma source(%dma_start3A_244 : memref<16384x2048xf32, #tpu.memory_space<hbm>>) target(%arg16 : memref<8x2048xf32, #tpu.memory_space<vmem>>) offsets(%dma_start3A_241 : memref<8xi32, #tpu.memory_space<vmem>>) semaphore(%arg25 : memref<!tpu.dma_semaphore, #tpu.memory_space<semaphore_mem>>)
    } else {
    }
    %dma_start3A = arith.constant 0 : i32
    %dma_start3A_95 = tpu.memref_slice %arg18[%dma_start3A] : memref<640xf32, #tpu.memory_space<vmem>> -> memref<128xf32, #tpu.memory_space<vmem>>
    %dma_start3A_96 = arith.constant 0 : i32
    %dma_start3A_97 = tpu.memref_slice %arg12[%dma_start3A_96] : memref<640xi32, #tpu.memory_space<vmem>> -> memref<128xi32, #tpu.memory_space<vmem>>
    %dma_start3A_98 = arith.constant 0 : i32
    %dma_start3A_99 = tpu.memref_slice %arg4[%dma_start3A_98] : memref<16384xf32, #tpu.memory_space<hbm>> -> memref<16384xf32, #tpu.memory_space<hbm>>
    tpu.enqueue_indirect_dma source(%dma_start3A_99 : memref<16384xf32, #tpu.memory_space<hbm>>) target(%dma_start3A_95 : memref<128xf32, #tpu.memory_space<vmem>>) offsets(%dma_start3A_97 : memref<128xi32, #tpu.memory_space<vmem>>) semaphore(%arg31 : memref<!tpu.dma_semaphore, #tpu.memory_space<semaphore_mem>>)
    %dma_start3A_100 = arith.constant 128 : i32
    %dma_start3A_101 = tpu.memref_slice %arg18[%dma_start3A_100] : memref<640xf32, #tpu.memory_space<vmem>> -> memref<128xf32, #tpu.memory_space<vmem>>
    %dma_start3A_102 = arith.constant 128 : i32
    %dma_start3A_103 = tpu.memref_slice %arg12[%dma_start3A_102] : memref<640xi32, #tpu.memory_space<vmem>> -> memref<128xi32, #tpu.memory_space<vmem>>
    %dma_start3A_104 = arith.constant 0 : i32
    %dma_start3A_105 = tpu.memref_slice %arg4[%dma_start3A_104] : memref<16384xf32, #tpu.memory_space<hbm>> -> memref<16384xf32, #tpu.memory_space<hbm>>
    tpu.enqueue_indirect_dma source(%dma_start3A_105 : memref<16384xf32, #tpu.memory_space<hbm>>) target(%dma_start3A_101 : memref<128xf32, #tpu.memory_space<vmem>>) offsets(%dma_start3A_103 : memref<128xi32, #tpu.memory_space<vmem>>) semaphore(%arg31 : memref<!tpu.dma_semaphore, #tpu.memory_space<semaphore_mem>>)
    %dma_start3A_106 = arith.constant 256 : i32
    %dma_start3A_107 = tpu.memref_slice %arg18[%dma_start3A_106] : memref<640xf32, #tpu.memory_space<vmem>> -> memref<128xf32, #tpu.memory_space<vmem>>
    %dma_start3A_108 = arith.constant 256 : i32
    %dma_start3A_109 = tpu.memref_slice %arg12[%dma_start3A_108] : memref<640xi32, #tpu.memory_space<vmem>> -> memref<128xi32, #tpu.memory_space<vmem>>
    %dma_start3A_110 = arith.constant 0 : i32
    %dma_start3A_111 = tpu.memref_slice %arg4[%dma_start3A_110] : memref<16384xf32, #tpu.memory_space<hbm>> -> memref<16384xf32, #tpu.memory_space<hbm>>
    tpu.enqueue_indirect_dma source(%dma_start3A_111 : memref<16384xf32, #tpu.memory_space<hbm>>) target(%dma_start3A_107 : memref<128xf32, #tpu.memory_space<vmem>>) offsets(%dma_start3A_109 : memref<128xi32, #tpu.memory_space<vmem>>) semaphore(%arg31 : memref<!tpu.dma_semaphore, #tpu.memory_space<semaphore_mem>>)
    %dma_start3A_112 = arith.constant 384 : i32
    %dma_start3A_113 = tpu.memref_slice %arg18[%dma_start3A_112] : memref<640xf32, #tpu.memory_space<vmem>> -> memref<128xf32, #tpu.memory_space<vmem>>
    %dma_start3A_114 = arith.constant 384 : i32
    %dma_start3A_115 = tpu.memref_slice %arg12[%dma_start3A_114] : memref<640xi32, #tpu.memory_space<vmem>> -> memref<128xi32, #tpu.memory_space<vmem>>
    %dma_start3A_116 = arith.constant 0 : i32
    %dma_start3A_117 = tpu.memref_slice %arg4[%dma_start3A_116] : memref<16384xf32, #tpu.memory_space<hbm>> -> memref<16384xf32, #tpu.memory_space<hbm>>
    tpu.enqueue_indirect_dma source(%dma_start3A_117 : memref<16384xf32, #tpu.memory_space<hbm>>) target(%dma_start3A_113 : memref<128xf32, #tpu.memory_space<vmem>>) offsets(%dma_start3A_115 : memref<128xi32, #tpu.memory_space<vmem>>) semaphore(%arg31 : memref<!tpu.dma_semaphore, #tpu.memory_space<semaphore_mem>>)
    %dma_start3A_118 = arith.constant 512 : i32
    %dma_start3A_119 = tpu.memref_slice %arg18[%dma_start3A_118] : memref<640xf32, #tpu.memory_space<vmem>> -> memref<128xf32, #tpu.memory_space<vmem>>
    %dma_start3A_120 = arith.constant 512 : i32
    %dma_start3A_121 = tpu.memref_slice %arg12[%dma_start3A_120] : memref<640xi32, #tpu.memory_space<vmem>> -> memref<128xi32, #tpu.memory_space<vmem>>
    %dma_start3A_122 = arith.constant 0 : i32
    %dma_start3A_123 = tpu.memref_slice %arg4[%dma_start3A_122] : memref<16384xf32, #tpu.memory_space<hbm>> -> memref<16384xf32, #tpu.memory_space<hbm>>
    tpu.enqueue_indirect_dma source(%dma_start3A_123 : memref<16384xf32, #tpu.memory_space<hbm>>) target(%dma_start3A_119 : memref<128xf32, #tpu.memory_space<vmem>>) offsets(%dma_start3A_121 : memref<128xi32, #tpu.memory_space<vmem>>) semaphore(%arg31 : memref<!tpu.dma_semaphore, #tpu.memory_space<semaphore_mem>>)
    %dma_wait3A = arith.constant 0 : i32
    %dma_wait3A_124 = tpu.memref_slice %arg18[%dma_wait3A] : memref<640xf32, #tpu.memory_space<vmem>> -> memref<128xf32, #tpu.memory_space<vmem>>
    %dma_wait3A_125 = arith.constant 0 : i32
    %dma_wait3A_126 = tpu.memref_slice %arg12[%dma_wait3A_125] : memref<640xi32, #tpu.memory_space<vmem>> -> memref<128xi32, #tpu.memory_space<vmem>>
    %dma_wait3A_127 = arith.constant 0 : i32
    %dma_wait3A_128 = tpu.memref_slice %arg4[%dma_wait3A_127] : memref<16384xf32, #tpu.memory_space<hbm>> -> memref<16384xf32, #tpu.memory_space<hbm>>
    tpu.wait_indirect_dma semaphore(%arg31 : memref<!tpu.dma_semaphore, #tpu.memory_space<semaphore_mem>>) src(%dma_wait3A_128 : memref<16384xf32, #tpu.memory_space<hbm>>) dst(%dma_wait3A_124 : memref<128xf32, #tpu.memory_space<vmem>>)
    %dma_wait3A_129 = arith.constant 128 : i32
    %dma_wait3A_130 = tpu.memref_slice %arg18[%dma_wait3A_129] : memref<640xf32, #tpu.memory_space<vmem>> -> memref<128xf32, #tpu.memory_space<vmem>>
    %dma_wait3A_131 = arith.constant 128 : i32
    %dma_wait3A_132 = tpu.memref_slice %arg12[%dma_wait3A_131] : memref<640xi32, #tpu.memory_space<vmem>> -> memref<128xi32, #tpu.memory_space<vmem>>
    %dma_wait3A_133 = arith.constant 0 : i32
    %dma_wait3A_134 = tpu.memref_slice %arg4[%dma_wait3A_133] : memref<16384xf32, #tpu.memory_space<hbm>> -> memref<16384xf32, #tpu.memory_space<hbm>>
    tpu.wait_indirect_dma semaphore(%arg31 : memref<!tpu.dma_semaphore, #tpu.memory_space<semaphore_mem>>) src(%dma_wait3A_134 : memref<16384xf32, #tpu.memory_space<hbm>>) dst(%dma_wait3A_130 : memref<128xf32, #tpu.memory_space<vmem>>)
    %dma_wait3A_135 = arith.constant 256 : i32
    %dma_wait3A_136 = tpu.memref_slice %arg18[%dma_wait3A_135] : memref<640xf32, #tpu.memory_space<vmem>> -> memref<128xf32, #tpu.memory_space<vmem>>
    %dma_wait3A_137 = arith.constant 256 : i32
    %dma_wait3A_138 = tpu.memref_slice %arg12[%dma_wait3A_137] : memref<640xi32, #tpu.memory_space<vmem>> -> memref<128xi32, #tpu.memory_space<vmem>>
    %dma_wait3A_139 = arith.constant 0 : i32
    %dma_wait3A_140 = tpu.memref_slice %arg4[%dma_wait3A_139] : memref<16384xf32, #tpu.memory_space<hbm>> -> memref<16384xf32, #tpu.memory_space<hbm>>
    tpu.wait_indirect_dma semaphore(%arg31 : memref<!tpu.dma_semaphore, #tpu.memory_space<semaphore_mem>>) src(%dma_wait3A_140 : memref<16384xf32, #tpu.memory_space<hbm>>) dst(%dma_wait3A_136 : memref<128xf32, #tpu.memory_space<vmem>>)
    %dma_wait3A_141 = arith.constant 384 : i32
    %dma_wait3A_142 = tpu.memref_slice %arg18[%dma_wait3A_141] : memref<640xf32, #tpu.memory_space<vmem>> -> memref<128xf32, #tpu.memory_space<vmem>>
    %dma_wait3A_143 = arith.constant 384 : i32
    %dma_wait3A_144 = tpu.memref_slice %arg12[%dma_wait3A_143] : memref<640xi32, #tpu.memory_space<vmem>> -> memref<128xi32, #tpu.memory_space<vmem>>
    %dma_wait3A_145 = arith.constant 0 : i32
    %dma_wait3A_146 = tpu.memref_slice %arg4[%dma_wait3A_145] : memref<16384xf32, #tpu.memory_space<hbm>> -> memref<16384xf32, #tpu.memory_space<hbm>>
    tpu.wait_indirect_dma semaphore(%arg31 : memref<!tpu.dma_semaphore, #tpu.memory_space<semaphore_mem>>) src(%dma_wait3A_146 : memref<16384xf32, #tpu.memory_space<hbm>>) dst(%dma_wait3A_142 : memref<128xf32, #tpu.memory_space<vmem>>)
    %dma_wait3A_147 = arith.constant 512 : i32
    %dma_wait3A_148 = tpu.memref_slice %arg18[%dma_wait3A_147] : memref<640xf32, #tpu.memory_space<vmem>> -> memref<128xf32, #tpu.memory_space<vmem>>
    %dma_wait3A_149 = arith.constant 512 : i32
    %dma_wait3A_150 = tpu.memref_slice %arg12[%dma_wait3A_149] : memref<640xi32, #tpu.memory_space<vmem>> -> memref<128xi32, #tpu.memory_space<vmem>>
    %dma_wait3A_151 = arith.constant 0 : i32
    %dma_wait3A_152 = tpu.memref_slice %arg4[%dma_wait3A_151] : memref<16384xf32, #tpu.memory_space<hbm>> -> memref<16384xf32, #tpu.memory_space<hbm>>
    tpu.wait_indirect_dma semaphore(%arg31 : memref<!tpu.dma_semaphore, #tpu.memory_space<semaphore_mem>>) src(%dma_wait3A_152 : memref<16384xf32, #tpu.memory_space<hbm>>) dst(%dma_wait3A_148 : memref<128xf32, #tpu.memory_space<vmem>>)
    %scan3A_153 = arith.constant 0 : i32
    %scan3A_154 = arith.constant 0 : i32
    %scan3A_155 = arith.constant 40 : i32
    %scan3A_156 = arith.addi %scan3A_154, %scan3A_155 : i32
    %scan3A_157 = arith.constant 1 : i32
    %scan3A_158 = scf.for %scan3A_240 = %scan3A_154 to %scan3A_156 step %scan3A_157 iter_args(%scan3A_241 = %scan3A_153) -> (i32)  : i32 {
      %mul3A_242 = arith.constant 16 : i32
      %mul3A_243 = arith.muli %scan3A_240, %mul3A_242 : i32
      %add3A_244 = vector.broadcast %mul3A_243 : i32 to vector<16xi32>
      %add3A_245 = arith.addi %iota3A, %add3A_244 : vector<16xi32>
      %mul3A_246 = arith.constant 16 : i32
      %mul3A_247 = arith.muli %scan3A_240, %mul3A_246 : i32
      %get3A = arith.index_cast %mul3A_247 : i32 to index
      %get3A_248 = tpu.vector_load %arg18[%get3A] {strides = array<i32>} : memref<640xf32, #tpu.memory_space<vmem>>, vector<16xf32>,
      %lt3A_249 = vector.broadcast %min3A_29 : i32 to vector<16xi32>
      %lt3A_250 = arith.cmpi slt, %add3A_245, %lt3A_249 : vector<16xi32>
      %jit3A_251 = arith.constant 0.000000e+00 : f32
      %broadcast_in_dim3A_252 = vector.broadcast %jit3A_251 : f32 to vector<16xf32>
      %select_n3A_253 = arith.select %lt3A_250, %get3A_248, %broadcast_in_dim3A_252 : vector<16xi1>, vector<16xf32>
      %mul3A_254 = arith.constant 16 : i32
      %mul3A_255 = arith.muli %scan3A_240, %mul3A_254 : i32
      %swap3A_256 = arith.index_cast %mul3A_255 : i32 to index
      %swap3A_257 = tpu.vector_load %arg18[%swap3A_256] {strides = array<i32>} : memref<640xf32, #tpu.memory_space<vmem>>, vector<16xf32>,
      tpu.vector_store %arg18[%swap3A_256], %select_n3A_253 {strides = array<i32>} : memref<640xf32, #tpu.memory_space<vmem>>, vector<16xf32>,
      %scan3A_258 = arith.constant 0 : i32
      scf.yield %scan3A_258 : i32
    }
    %scan3A_159 = arith.constant 40 : i32
    "tpu.region"() ({
      %run_scoped3A = tpu.sem_alloc : memref<!tpu.dma_semaphore, #tpu.memory_space<semaphore_mem>>
      %dma_start3A_240 = tpu.memref_slice %arg7[%add3A_50] : memref<20480xf32, #tpu.memory_space<hbm>> -> memref<640xf32, #tpu.memory_space<hbm>>
      %dma_start3A_241 = tpu.memref_slice %arg7[%add3A_50] : memref<20480xf32, #tpu.memory_space<hbm>> -> memref<640xf32, #tpu.memory_space<hbm>>
      tpu.enqueue_dma source(%arg18 : memref<640xf32, #tpu.memory_space<vmem>>) target(%dma_start3A_241 : memref<640xf32, #tpu.memory_space<hbm>>) target_semaphore(%run_scoped3A : memref<!tpu.dma_semaphore, #tpu.memory_space<semaphore_mem>>)
      %dma_wait3A_242 = tpu.memref_slice %arg7[%add3A_50] : memref<20480xf32, #tpu.memory_space<hbm>> -> memref<640xf32, #tpu.memory_space<hbm>>
      %dma_wait3A_243 = tpu.memref_slice %arg7[%add3A_50] : memref<20480xf32, #tpu.memory_space<hbm>> -> memref<640xf32, #tpu.memory_space<hbm>>
      tpu.wait_dma2 semaphore(%run_scoped3A : memref<!tpu.dma_semaphore, #tpu.memory_space<semaphore_mem>>) src(%arg18 : memref<640xf32, #tpu.memory_space<vmem>>) dst(%dma_wait3A_243 : memref<640xf32, #tpu.memory_space<hbm>>)
      tpu.yield
    }) : () -> ()
    "tpu.region"() ({
      %run_scoped3A = tpu.sem_alloc : memref<!tpu.dma_semaphore, #tpu.memory_space<semaphore_mem>>
      %dma_start3A_240 = tpu.memref_slice %arg8[%add3A_50] : memref<20480xi32, #tpu.memory_space<hbm>> -> memref<640xi32, #tpu.memory_space<hbm>>
      %dma_start3A_241 = tpu.memref_slice %arg8[%add3A_50] : memref<20480xi32, #tpu.memory_space<hbm>> -> memref<640xi32, #tpu.memory_space<hbm>>
      tpu.enqueue_dma source(%arg19 : memref<640xi32, #tpu.memory_space<vmem>>) target(%dma_start3A_241 : memref<640xi32, #tpu.memory_space<hbm>>) target_semaphore(%run_scoped3A : memref<!tpu.dma_semaphore, #tpu.memory_space<semaphore_mem>>)
      %dma_wait3A_242 = tpu.memref_slice %arg8[%add3A_50] : memref<20480xi32, #tpu.memory_space<hbm>> -> memref<640xi32, #tpu.memory_space<hbm>>
      %dma_wait3A_243 = tpu.memref_slice %arg8[%add3A_50] : memref<20480xi32, #tpu.memory_space<hbm>> -> memref<640xi32, #tpu.memory_space<hbm>>
      tpu.wait_dma2 semaphore(%run_scoped3A : memref<!tpu.dma_semaphore, #tpu.memory_space<semaphore_mem>>) src(%arg19 : memref<640xi32, #tpu.memory_space<vmem>>) dst(%dma_wait3A_243 : memref<640xi32, #tpu.memory_space<hbm>>)
      tpu.yield
    }) : () -> ()
    %add3A_160 = arith.constant 3 : i32
    %add3A_161 = arith.addi %select_n3A_72, %add3A_160 : i32
    %jit3A_162 = arith.constant 4 : i32
    %div3A_163 = arith.divsi %add3A_161, %jit3A_162 : i32
    %sign3A_164 = arith.constant 0 : i32
    %sign3A_165 = arith.cmpi sgt, %add3A_161, %sign3A_164 : i32
    %sign3A_166 = arith.extui %sign3A_165 : i1 to i32
    %sign3A_167 = arith.constant 0 : i32
    %sign3A_168 = arith.cmpi slt, %add3A_161, %sign3A_167 : i32
    %sign3A_169 = arith.extui %sign3A_168 : i1 to i32
    %sign3A_170 = arith.subi %sign3A_166, %sign3A_169 : i32
    %sign3A_171 = arith.constant 0 : i32
    %sign3A_172 = arith.cmpi sgt, %jit3A_162, %sign3A_171 : i32
    %sign3A_173 = arith.extui %sign3A_172 : i1 to i32
    %sign3A_174 = arith.constant 0 : i32
    %sign3A_175 = arith.cmpi slt, %jit3A_162, %sign3A_174 : i32
    %sign3A_176 = arith.extui %sign3A_175 : i1 to i32
    %sign3A_177 = arith.subi %sign3A_173, %sign3A_176 : i32
    %ne3A_178 = arith.cmpi ne, %sign3A_170, %sign3A_177 : i32
    %rem3A_179 = arith.remsi %add3A_161, %jit3A_162 : i32
    %ne3A_180 = arith.constant 0 : i32
    %ne3A_181 = arith.cmpi ne, %rem3A_179, %ne3A_180 : i32
    %and3A_182 = arith.andi %ne3A_178, %ne3A_181 : i1
    %sub3A_183 = arith.constant 1 : i32
    %sub3A_184 = arith.subi %div3A_163, %sub3A_183 : i32
    %select_n3A_185 = arith.select %and3A_182, %sub3A_184, %div3A_163 : i32
    %while3A = arith.constant 0 : i32
    %while3A_186 = arith.constant 0 : i32
    %while3A_187 = arith.subi %select_n3A_185, %while3A : i32
    %while3A_188 = arith.addi %while3A, %while3A_187 : i32
    %while3A_189 = arith.constant 1 : i32
    %while3A_190 = arith.divsi %while3A_187, %while3A_189 : i32
    %while3A_191 = arith.muli %while3A_190, %while3A_189 : i32
    %while3A_192 = arith.addi %while3A, %while3A_191 : i32
    %while3A_193 = arith.constant 1 : i32
    %while3A_194 = scf.for %while3A_240 = %while3A to %while3A_192 step %while3A_193 iter_args(%while3A_241 = %while3A_186) -> (i32)  : i32 {
      %mul3A_242 = arith.constant 4 : i32
      %mul3A_243 = arith.muli %while3A_240, %mul3A_242 : i32
      %add3A_244 = arith.constant 0 : i32
      %add3A_245 = arith.addi %mul3A_243, %add3A_244 : i32
      %lt3A_246 = arith.cmpi slt, %add3A_245, %select_n3A_72 : i32
      %convert_element_type3A_247 = arith.extui %lt3A_246 : i1 to i32
      %cond3A_248 = arith.constant 0 : i32
      %cond3A_249 = arith.cmpi ne, %convert_element_type3A_247, %cond3A_248 : i32
      scf.if %cond3A_249 {
        %dma_wait3A_269 = arith.constant 0 : i32
        %dma_wait3A_270 = tpu.memref_slice %arg12[%dma_wait3A_269] : memref<640xi32, #tpu.memory_space<vmem>> -> memref<8xi32, #tpu.memory_space<vmem>>
        %dma_wait3A_271 = arith.constant 0 : i32
        %dma_wait3A_272 = arith.constant 0 : i32
        %dma_wait3A_273 = tpu.memref_slice %arg2[%dma_wait3A_271, %dma_wait3A_272] : memref<16384x2048xf32, #tpu.memory_space<hbm>> -> memref<16384x2048xf32, #tpu.memory_space<hbm>>
        tpu.wait_indirect_dma semaphore(%arg22 : memref<!tpu.dma_semaphore, #tpu.memory_space<semaphore_mem>>) src(%dma_wait3A_273 : memref<16384x2048xf32, #tpu.memory_space<hbm>>) dst(%arg13 : memref<8x2048xf32, #tpu.memory_space<vmem>>)
        %mul3A_274 = arith.constant 8 : i32
        %mul3A_275 = arith.muli %add3A_245, %mul3A_274 : i32
        %add3A_276 = arith.addi %add3A_50, %mul3A_275 : i32
        %dma_start3A_277 = arith.constant 0 : i32
        %dma_start3A_278 = tpu.memref_slice %arg6[%add3A_276, %dma_start3A_277] : memref<20480x2048xf32, #tpu.memory_space<hbm>> -> memref<8x2048xf32, #tpu.memory_space<hbm>>
        %dma_start3A_279 = arith.constant 0 : i32
        %dma_start3A_280 = tpu.memref_slice %arg6[%add3A_276, %dma_start3A_279] : memref<20480x2048xf32, #tpu.memory_space<hbm>> -> memref<8x2048xf32, #tpu.memory_space<hbm>>
        tpu.enqueue_dma source(%arg13 : memref<8x2048xf32, #tpu.memory_space<vmem>>) target(%dma_start3A_280 : memref<8x2048xf32, #tpu.memory_space<hbm>>) target_semaphore(%arg26 : memref<!tpu.dma_semaphore, #tpu.memory_space<semaphore_mem>>)
        %add3A_281 = arith.constant 4 : i32
        %add3A_282 = arith.addi %add3A_245, %add3A_281 : i32
        %lt3A_283 = arith.cmpi slt, %add3A_282, %select_n3A_72 : i32
        %convert_element_type3A_284 = arith.extui %lt3A_283 : i1 to i32
        %cond3A_285 = arith.constant 0 : i32
        %cond3A_286 = arith.cmpi ne, %convert_element_type3A_284, %cond3A_285 : i32
        scf.if %cond3A_286 {
          %dma_wait3A_287 = arith.constant 0 : i32
          %dma_wait3A_288 = tpu.memref_slice %arg6[%add3A_50, %dma_wait3A_287] : memref<20480x2048xf32, #tpu.memory_space<hbm>> -> memref<8x2048xf32, #tpu.memory_space<hbm>>
          %dma_wait3A_289 = arith.constant 0 : i32
          %dma_wait3A_290 = tpu.memref_slice %arg6[%add3A_50, %dma_wait3A_289] : memref<20480x2048xf32, #tpu.memory_space<hbm>> -> memref<8x2048xf32, #tpu.memory_space<hbm>>
          tpu.wait_dma2 semaphore(%arg26 : memref<!tpu.dma_semaphore, #tpu.memory_space<semaphore_mem>>) src(%arg13 : memref<8x2048xf32, #tpu.memory_space<vmem>>) dst(%dma_wait3A_290 : memref<8x2048xf32, #tpu.memory_space<hbm>>)
          %add3A_291 = arith.constant 4 : i32
          %add3A_292 = arith.addi %add3A_245, %add3A_291 : i32
          %mul3A_293 = arith.constant 8 : i32
          %mul3A_294 = arith.muli %add3A_292, %mul3A_293 : i32
          %dma_start3A_295 = tpu.memref_slice %arg12[%mul3A_294] : memref<640xi32, #tpu.memory_space<vmem>> -> memref<8xi32, #tpu.memory_space<vmem>>
          %dma_start3A_296 = arith.constant 0 : i32
          %dma_start3A_297 = arith.constant 0 : i32
          %dma_start3A_298 = tpu.memref_slice %arg2[%dma_start3A_296, %dma_start3A_297] : memref<16384x2048xf32, #tpu.memory_space<hbm>> -> memref<16384x2048xf32, #tpu.memory_space<hbm>>
          tpu.enqueue_indirect_dma source(%dma_start3A_298 : memref<16384x2048xf32, #tpu.memory_space<hbm>>) target(%arg13 : memref<8x2048xf32, #tpu.memory_space<vmem>>) offsets(%dma_start3A_295 : memref<8xi32, #tpu.memory_space<vmem>>) semaphore(%arg22 : memref<!tpu.dma_semaphore, #tpu.memory_space<semaphore_mem>>)
        } else {
        }
      } else {
      }
      %add3A_250 = arith.constant 1 : i32
      %add3A_251 = arith.addi %mul3A_243, %add3A_250 : i32
      %lt3A_252 = arith.cmpi slt, %add3A_251, %select_n3A_72 : i32
      %convert_element_type3A_253 = arith.extui %lt3A_252 : i1 to i32
      %cond3A_254 = arith.constant 0 : i32
      %cond3A_255 = arith.cmpi ne, %convert_element_type3A_253, %cond3A_254 : i32
      scf.if %cond3A_255 {
        %dma_wait3A_269 = arith.constant 0 : i32
        %dma_wait3A_270 = tpu.memref_slice %arg12[%dma_wait3A_269] : memref<640xi32, #tpu.memory_space<vmem>> -> memref<8xi32, #tpu.memory_space<vmem>>
        %dma_wait3A_271 = arith.constant 0 : i32
        %dma_wait3A_272 = arith.constant 0 : i32
        %dma_wait3A_273 = tpu.memref_slice %arg2[%dma_wait3A_271, %dma_wait3A_272] : memref<16384x2048xf32, #tpu.memory_space<hbm>> -> memref<16384x2048xf32, #tpu.memory_space<hbm>>
        tpu.wait_indirect_dma semaphore(%arg23 : memref<!tpu.dma_semaphore, #tpu.memory_space<semaphore_mem>>) src(%dma_wait3A_273 : memref<16384x2048xf32, #tpu.memory_space<hbm>>) dst(%arg14 : memref<8x2048xf32, #tpu.memory_space<vmem>>)
        %mul3A_274 = arith.constant 8 : i32
        %mul3A_275 = arith.muli %add3A_251, %mul3A_274 : i32
        %add3A_276 = arith.addi %add3A_50, %mul3A_275 : i32
        %dma_start3A_277 = arith.constant 0 : i32
        %dma_start3A_278 = tpu.memref_slice %arg6[%add3A_276, %dma_start3A_277] : memref<20480x2048xf32, #tpu.memory_space<hbm>> -> memref<8x2048xf32, #tpu.memory_space<hbm>>
        %dma_start3A_279 = arith.constant 0 : i32
        %dma_start3A_280 = tpu.memref_slice %arg6[%add3A_276, %dma_start3A_279] : memref<20480x2048xf32, #tpu.memory_space<hbm>> -> memref<8x2048xf32, #tpu.memory_space<hbm>>
        tpu.enqueue_dma source(%arg14 : memref<8x2048xf32, #tpu.memory_space<vmem>>) target(%dma_start3A_280 : memref<8x2048xf32, #tpu.memory_space<hbm>>) target_semaphore(%arg27 : memref<!tpu.dma_semaphore, #tpu.memory_space<semaphore_mem>>)
        %add3A_281 = arith.constant 4 : i32
        %add3A_282 = arith.addi %add3A_251, %add3A_281 : i32
        %lt3A_283 = arith.cmpi slt, %add3A_282, %select_n3A_72 : i32
        %convert_element_type3A_284 = arith.extui %lt3A_283 : i1 to i32
        %cond3A_285 = arith.constant 0 : i32
        %cond3A_286 = arith.cmpi ne, %convert_element_type3A_284, %cond3A_285 : i32
        scf.if %cond3A_286 {
          %dma_wait3A_287 = arith.constant 0 : i32
          %dma_wait3A_288 = tpu.memref_slice %arg6[%add3A_50, %dma_wait3A_287] : memref<20480x2048xf32, #tpu.memory_space<hbm>> -> memref<8x2048xf32, #tpu.memory_space<hbm>>
          %dma_wait3A_289 = arith.constant 0 : i32
          %dma_wait3A_290 = tpu.memref_slice %arg6[%add3A_50, %dma_wait3A_289] : memref<20480x2048xf32, #tpu.memory_space<hbm>> -> memref<8x2048xf32, #tpu.memory_space<hbm>>
          tpu.wait_dma2 semaphore(%arg27 : memref<!tpu.dma_semaphore, #tpu.memory_space<semaphore_mem>>) src(%arg14 : memref<8x2048xf32, #tpu.memory_space<vmem>>) dst(%dma_wait3A_290 : memref<8x2048xf32, #tpu.memory_space<hbm>>)
          %add3A_291 = arith.constant 4 : i32
          %add3A_292 = arith.addi %add3A_251, %add3A_291 : i32
          %mul3A_293 = arith.constant 8 : i32
          %mul3A_294 = arith.muli %add3A_292, %mul3A_293 : i32
          %dma_start3A_295 = tpu.memref_slice %arg12[%mul3A_294] : memref<640xi32, #tpu.memory_space<vmem>> -> memref<8xi32, #tpu.memory_space<vmem>>
          %dma_start3A_296 = arith.constant 0 : i32
          %dma_start3A_297 = arith.constant 0 : i32
          %dma_start3A_298 = tpu.memref_slice %arg2[%dma_start3A_296, %dma_start3A_297] : memref<16384x2048xf32, #tpu.memory_space<hbm>> -> memref<16384x2048xf32, #tpu.memory_space<hbm>>
          tpu.enqueue_indirect_dma source(%dma_start3A_298 : memref<16384x2048xf32, #tpu.memory_space<hbm>>) target(%arg14 : memref<8x2048xf32, #tpu.memory_space<vmem>>) offsets(%dma_start3A_295 : memref<8xi32, #tpu.memory_space<vmem>>) semaphore(%arg23 : memref<!tpu.dma_semaphore, #tpu.memory_space<semaphore_mem>>)
        } else {
        }
      } else {
      }
      %add3A_256 = arith.constant 2 : i32
      %add3A_257 = arith.addi %mul3A_243, %add3A_256 : i32
      %lt3A_258 = arith.cmpi slt, %add3A_257, %select_n3A_72 : i32
      %convert_element_type3A_259 = arith.extui %lt3A_258 : i1 to i32
      %cond3A_260 = arith.constant 0 : i32
      %cond3A_261 = arith.cmpi ne, %convert_element_type3A_259, %cond3A_260 : i32
      scf.if %cond3A_261 {
        %dma_wait3A_269 = arith.constant 0 : i32
        %dma_wait3A_270 = tpu.memref_slice %arg12[%dma_wait3A_269] : memref<640xi32, #tpu.memory_space<vmem>> -> memref<8xi32, #tpu.memory_space<vmem>>
        %dma_wait3A_271 = arith.constant 0 : i32
        %dma_wait3A_272 = arith.constant 0 : i32
        %dma_wait3A_273 = tpu.memref_slice %arg2[%dma_wait3A_271, %dma_wait3A_272] : memref<16384x2048xf32, #tpu.memory_space<hbm>> -> memref<16384x2048xf32, #tpu.memory_space<hbm>>
        tpu.wait_indirect_dma semaphore(%arg24 : memref<!tpu.dma_semaphore, #tpu.memory_space<semaphore_mem>>) src(%dma_wait3A_273 : memref<16384x2048xf32, #tpu.memory_space<hbm>>) dst(%arg15 : memref<8x2048xf32, #tpu.memory_space<vmem>>)
        %mul3A_274 = arith.constant 8 : i32
        %mul3A_275 = arith.muli %add3A_257, %mul3A_274 : i32
        %add3A_276 = arith.addi %add3A_50, %mul3A_275 : i32
        %dma_start3A_277 = arith.constant 0 : i32
        %dma_start3A_278 = tpu.memref_slice %arg6[%add3A_276, %dma_start3A_277] : memref<20480x2048xf32, #tpu.memory_space<hbm>> -> memref<8x2048xf32, #tpu.memory_space<hbm>>
        %dma_start3A_279 = arith.constant 0 : i32
        %dma_start3A_280 = tpu.memref_slice %arg6[%add3A_276, %dma_start3A_279] : memref<20480x2048xf32, #tpu.memory_space<hbm>> -> memref<8x2048xf32, #tpu.memory_space<hbm>>
        tpu.enqueue_dma source(%arg15 : memref<8x2048xf32, #tpu.memory_space<vmem>>) target(%dma_start3A_280 : memref<8x2048xf32, #tpu.memory_space<hbm>>) target_semaphore(%arg28 : memref<!tpu.dma_semaphore, #tpu.memory_space<semaphore_mem>>)
        %add3A_281 = arith.constant 4 : i32
        %add3A_282 = arith.addi %add3A_257, %add3A_281 : i32
        %lt3A_283 = arith.cmpi slt, %add3A_282, %select_n3A_72 : i32
        %convert_element_type3A_284 = arith.extui %lt3A_283 : i1 to i32
        %cond3A_285 = arith.constant 0 : i32
        %cond3A_286 = arith.cmpi ne, %convert_element_type3A_284, %cond3A_285 : i32
        scf.if %cond3A_286 {
          %dma_wait3A_287 = arith.constant 0 : i32
          %dma_wait3A_288 = tpu.memref_slice %arg6[%add3A_50, %dma_wait3A_287] : memref<20480x2048xf32, #tpu.memory_space<hbm>> -> memref<8x2048xf32, #tpu.memory_space<hbm>>
          %dma_wait3A_289 = arith.constant 0 : i32
          %dma_wait3A_290 = tpu.memref_slice %arg6[%add3A_50, %dma_wait3A_289] : memref<20480x2048xf32, #tpu.memory_space<hbm>> -> memref<8x2048xf32, #tpu.memory_space<hbm>>
          tpu.wait_dma2 semaphore(%arg28 : memref<!tpu.dma_semaphore, #tpu.memory_space<semaphore_mem>>) src(%arg15 : memref<8x2048xf32, #tpu.memory_space<vmem>>) dst(%dma_wait3A_290 : memref<8x2048xf32, #tpu.memory_space<hbm>>)
          %add3A_291 = arith.constant 4 : i32
          %add3A_292 = arith.addi %add3A_257, %add3A_291 : i32
          %mul3A_293 = arith.constant 8 : i32
          %mul3A_294 = arith.muli %add3A_292, %mul3A_293 : i32
          %dma_start3A_295 = tpu.memref_slice %arg12[%mul3A_294] : memref<640xi32, #tpu.memory_space<vmem>> -> memref<8xi32, #tpu.memory_space<vmem>>
          %dma_start3A_296 = arith.constant 0 : i32
          %dma_start3A_297 = arith.constant 0 : i32
          %dma_start3A_298 = tpu.memref_slice %arg2[%dma_start3A_296, %dma_start3A_297] : memref<16384x2048xf32, #tpu.memory_space<hbm>> -> memref<16384x2048xf32, #tpu.memory_space<hbm>>
          tpu.enqueue_indirect_dma source(%dma_start3A_298 : memref<16384x2048xf32, #tpu.memory_space<hbm>>) target(%arg15 : memref<8x2048xf32, #tpu.memory_space<vmem>>) offsets(%dma_start3A_295 : memref<8xi32, #tpu.memory_space<vmem>>) semaphore(%arg24 : memref<!tpu.dma_semaphore, #tpu.memory_space<semaphore_mem>>)
        } else {
        }
      } else {
      }
      %add3A_262 = arith.constant 3 : i32
      %add3A_263 = arith.addi %mul3A_243, %add3A_262 : i32
      %lt3A_264 = arith.cmpi slt, %add3A_263, %select_n3A_72 : i32
      %convert_element_type3A_265 = arith.extui %lt3A_264 : i1 to i32
      %cond3A_266 = arith.constant 0 : i32
      %cond3A_267 = arith.cmpi ne, %convert_element_type3A_265, %cond3A_266 : i32
      scf.if %cond3A_267 {
        %dma_wait3A_269 = arith.constant 0 : i32
        %dma_wait3A_270 = tpu.memref_slice %arg12[%dma_wait3A_269] : memref<640xi32, #tpu.memory_space<vmem>> -> memref<8xi32, #tpu.memory_space<vmem>>
        %dma_wait3A_271 = arith.constant 0 : i32
        %dma_wait3A_272 = arith.constant 0 : i32
        %dma_wait3A_273 = tpu.memref_slice %arg2[%dma_wait3A_271, %dma_wait3A_272] : memref<16384x2048xf32, #tpu.memory_space<hbm>> -> memref<16384x2048xf32, #tpu.memory_space<hbm>>
        tpu.wait_indirect_dma semaphore(%arg25 : memref<!tpu.dma_semaphore, #tpu.memory_space<semaphore_mem>>) src(%dma_wait3A_273 : memref<16384x2048xf32, #tpu.memory_space<hbm>>) dst(%arg16 : memref<8x2048xf32, #tpu.memory_space<vmem>>)
        %mul3A_274 = arith.constant 8 : i32
        %mul3A_275 = arith.muli %add3A_263, %mul3A_274 : i32
        %add3A_276 = arith.addi %add3A_50, %mul3A_275 : i32
        %dma_start3A_277 = arith.constant 0 : i32
        %dma_start3A_278 = tpu.memref_slice %arg6[%add3A_276, %dma_start3A_277] : memref<20480x2048xf32, #tpu.memory_space<hbm>> -> memref<8x2048xf32, #tpu.memory_space<hbm>>
        %dma_start3A_279 = arith.constant 0 : i32
        %dma_start3A_280 = tpu.memref_slice %arg6[%add3A_276, %dma_start3A_279] : memref<20480x2048xf32, #tpu.memory_space<hbm>> -> memref<8x2048xf32, #tpu.memory_space<hbm>>
        tpu.enqueue_dma source(%arg16 : memref<8x2048xf32, #tpu.memory_space<vmem>>) target(%dma_start3A_280 : memref<8x2048xf32, #tpu.memory_space<hbm>>) target_semaphore(%arg29 : memref<!tpu.dma_semaphore, #tpu.memory_space<semaphore_mem>>)
        %add3A_281 = arith.constant 4 : i32
        %add3A_282 = arith.addi %add3A_263, %add3A_281 : i32
        %lt3A_283 = arith.cmpi slt, %add3A_282, %select_n3A_72 : i32
        %convert_element_type3A_284 = arith.extui %lt3A_283 : i1 to i32
        %cond3A_285 = arith.constant 0 : i32
        %cond3A_286 = arith.cmpi ne, %convert_element_type3A_284, %cond3A_285 : i32
        scf.if %cond3A_286 {
          %dma_wait3A_287 = arith.constant 0 : i32
          %dma_wait3A_288 = tpu.memref_slice %arg6[%add3A_50, %dma_wait3A_287] : memref<20480x2048xf32, #tpu.memory_space<hbm>> -> memref<8x2048xf32, #tpu.memory_space<hbm>>
          %dma_wait3A_289 = arith.constant 0 : i32
          %dma_wait3A_290 = tpu.memref_slice %arg6[%add3A_50, %dma_wait3A_289] : memref<20480x2048xf32, #tpu.memory_space<hbm>> -> memref<8x2048xf32, #tpu.memory_space<hbm>>
          tpu.wait_dma2 semaphore(%arg29 : memref<!tpu.dma_semaphore, #tpu.memory_space<semaphore_mem>>) src(%arg16 : memref<8x2048xf32, #tpu.memory_space<vmem>>) dst(%dma_wait3A_290 : memref<8x2048xf32, #tpu.memory_space<hbm>>)
          %add3A_291 = arith.constant 4 : i32
          %add3A_292 = arith.addi %add3A_263, %add3A_291 : i32
          %mul3A_293 = arith.constant 8 : i32
          %mul3A_294 = arith.muli %add3A_292, %mul3A_293 : i32
          %dma_start3A_295 = tpu.memref_slice %arg12[%mul3A_294] : memref<640xi32, #tpu.memory_space<vmem>> -> memref<8xi32, #tpu.memory_space<vmem>>
          %dma_start3A_296 = arith.constant 0 : i32
          %dma_start3A_297 = arith.constant 0 : i32
          %dma_start3A_298 = tpu.memref_slice %arg2[%dma_start3A_296, %dma_start3A_297] : memref<16384x2048xf32, #tpu.memory_space<hbm>> -> memref<16384x2048xf32, #tpu.memory_space<hbm>>
          tpu.enqueue_indirect_dma source(%dma_start3A_298 : memref<16384x2048xf32, #tpu.memory_space<hbm>>) target(%arg16 : memref<8x2048xf32, #tpu.memory_space<vmem>>) offsets(%dma_start3A_295 : memref<8xi32, #tpu.memory_space<vmem>>) semaphore(%arg25 : memref<!tpu.dma_semaphore, #tpu.memory_space<semaphore_mem>>)
        } else {
        }
      } else {
      }
      %while3A_268 = arith.constant 0 : i32
      scf.yield %while3A_268 : i32
    }
    %while3A_195 = arith.constant 1 : i32
    %while3A_196 = scf.for %while3A_240 = %while3A_192 to %while3A_188 step %while3A_195 iter_args(%while3A_241 = %while3A_194) -> (i32)  : i32 {
      %mul3A_242 = arith.constant 4 : i32
      %mul3A_243 = arith.muli %while3A_240, %mul3A_242 : i32
      %add3A_244 = arith.constant 0 : i32
      %add3A_245 = arith.addi %mul3A_243, %add3A_244 : i32
      %lt3A_246 = arith.cmpi slt, %add3A_245, %select_n3A_72 : i32
      %convert_element_type3A_247 = arith.extui %lt3A_246 : i1 to i32
      %cond3A_248 = arith.constant 0 : i32
      %cond3A_249 = arith.cmpi ne, %convert_element_type3A_247, %cond3A_248 : i32
      scf.if %cond3A_249 {
        %dma_wait3A_269 = arith.constant 0 : i32
        %dma_wait3A_270 = tpu.memref_slice %arg12[%dma_wait3A_269] : memref<640xi32, #tpu.memory_space<vmem>> -> memref<8xi32, #tpu.memory_space<vmem>>
        %dma_wait3A_271 = arith.constant 0 : i32
        %dma_wait3A_272 = arith.constant 0 : i32
        %dma_wait3A_273 = tpu.memref_slice %arg2[%dma_wait3A_271, %dma_wait3A_272] : memref<16384x2048xf32, #tpu.memory_space<hbm>> -> memref<16384x2048xf32, #tpu.memory_space<hbm>>
        tpu.wait_indirect_dma semaphore(%arg22 : memref<!tpu.dma_semaphore, #tpu.memory_space<semaphore_mem>>) src(%dma_wait3A_273 : memref<16384x2048xf32, #tpu.memory_space<hbm>>) dst(%arg13 : memref<8x2048xf32, #tpu.memory_space<vmem>>)
        %mul3A_274 = arith.constant 8 : i32
        %mul3A_275 = arith.muli %add3A_245, %mul3A_274 : i32
        %add3A_276 = arith.addi %add3A_50, %mul3A_275 : i32
        %dma_start3A_277 = arith.constant 0 : i32
        %dma_start3A_278 = tpu.memref_slice %arg6[%add3A_276, %dma_start3A_277] : memref<20480x2048xf32, #tpu.memory_space<hbm>> -> memref<8x2048xf32, #tpu.memory_space<hbm>>
        %dma_start3A_279 = arith.constant 0 : i32
        %dma_start3A_280 = tpu.memref_slice %arg6[%add3A_276, %dma_start3A_279] : memref<20480x2048xf32, #tpu.memory_space<hbm>> -> memref<8x2048xf32, #tpu.memory_space<hbm>>
        tpu.enqueue_dma source(%arg13 : memref<8x2048xf32, #tpu.memory_space<vmem>>) target(%dma_start3A_280 : memref<8x2048xf32, #tpu.memory_space<hbm>>) target_semaphore(%arg26 : memref<!tpu.dma_semaphore, #tpu.memory_space<semaphore_mem>>)
        %add3A_281 = arith.constant 4 : i32
        %add3A_282 = arith.addi %add3A_245, %add3A_281 : i32
        %lt3A_283 = arith.cmpi slt, %add3A_282, %select_n3A_72 : i32
        %convert_element_type3A_284 = arith.extui %lt3A_283 : i1 to i32
        %cond3A_285 = arith.constant 0 : i32
        %cond3A_286 = arith.cmpi ne, %convert_element_type3A_284, %cond3A_285 : i32
        scf.if %cond3A_286 {
          %dma_wait3A_287 = arith.constant 0 : i32
          %dma_wait3A_288 = tpu.memref_slice %arg6[%add3A_50, %dma_wait3A_287] : memref<20480x2048xf32, #tpu.memory_space<hbm>> -> memref<8x2048xf32, #tpu.memory_space<hbm>>
          %dma_wait3A_289 = arith.constant 0 : i32
          %dma_wait3A_290 = tpu.memref_slice %arg6[%add3A_50, %dma_wait3A_289] : memref<20480x2048xf32, #tpu.memory_space<hbm>> -> memref<8x2048xf32, #tpu.memory_space<hbm>>
          tpu.wait_dma2 semaphore(%arg26 : memref<!tpu.dma_semaphore, #tpu.memory_space<semaphore_mem>>) src(%arg13 : memref<8x2048xf32, #tpu.memory_space<vmem>>) dst(%dma_wait3A_290 : memref<8x2048xf32, #tpu.memory_space<hbm>>)
          %add3A_291 = arith.constant 4 : i32
          %add3A_292 = arith.addi %add3A_245, %add3A_291 : i32
          %mul3A_293 = arith.constant 8 : i32
          %mul3A_294 = arith.muli %add3A_292, %mul3A_293 : i32
          %dma_start3A_295 = tpu.memref_slice %arg12[%mul3A_294] : memref<640xi32, #tpu.memory_space<vmem>> -> memref<8xi32, #tpu.memory_space<vmem>>
          %dma_start3A_296 = arith.constant 0 : i32
          %dma_start3A_297 = arith.constant 0 : i32
          %dma_start3A_298 = tpu.memref_slice %arg2[%dma_start3A_296, %dma_start3A_297] : memref<16384x2048xf32, #tpu.memory_space<hbm>> -> memref<16384x2048xf32, #tpu.memory_space<hbm>>
          tpu.enqueue_indirect_dma source(%dma_start3A_298 : memref<16384x2048xf32, #tpu.memory_space<hbm>>) target(%arg13 : memref<8x2048xf32, #tpu.memory_space<vmem>>) offsets(%dma_start3A_295 : memref<8xi32, #tpu.memory_space<vmem>>) semaphore(%arg22 : memref<!tpu.dma_semaphore, #tpu.memory_space<semaphore_mem>>)
        } else {
        }
      } else {
      }
      %add3A_250 = arith.constant 1 : i32
      %add3A_251 = arith.addi %mul3A_243, %add3A_250 : i32
      %lt3A_252 = arith.cmpi slt, %add3A_251, %select_n3A_72 : i32
      %convert_element_type3A_253 = arith.extui %lt3A_252 : i1 to i32
      %cond3A_254 = arith.constant 0 : i32
      %cond3A_255 = arith.cmpi ne, %convert_element_type3A_253, %cond3A_254 : i32
      scf.if %cond3A_255 {
        %dma_wait3A_269 = arith.constant 0 : i32
        %dma_wait3A_270 = tpu.memref_slice %arg12[%dma_wait3A_269] : memref<640xi32, #tpu.memory_space<vmem>> -> memref<8xi32, #tpu.memory_space<vmem>>
        %dma_wait3A_271 = arith.constant 0 : i32
        %dma_wait3A_272 = arith.constant 0 : i32
        %dma_wait3A_273 = tpu.memref_slice %arg2[%dma_wait3A_271, %dma_wait3A_272] : memref<16384x2048xf32, #tpu.memory_space<hbm>> -> memref<16384x2048xf32, #tpu.memory_space<hbm>>
        tpu.wait_indirect_dma semaphore(%arg23 : memref<!tpu.dma_semaphore, #tpu.memory_space<semaphore_mem>>) src(%dma_wait3A_273 : memref<16384x2048xf32, #tpu.memory_space<hbm>>) dst(%arg14 : memref<8x2048xf32, #tpu.memory_space<vmem>>)
        %mul3A_274 = arith.constant 8 : i32
        %mul3A_275 = arith.muli %add3A_251, %mul3A_274 : i32
        %add3A_276 = arith.addi %add3A_50, %mul3A_275 : i32
        %dma_start3A_277 = arith.constant 0 : i32
        %dma_start3A_278 = tpu.memref_slice %arg6[%add3A_276, %dma_start3A_277] : memref<20480x2048xf32, #tpu.memory_space<hbm>> -> memref<8x2048xf32, #tpu.memory_space<hbm>>
        %dma_start3A_279 = arith.constant 0 : i32
        %dma_start3A_280 = tpu.memref_slice %arg6[%add3A_276, %dma_start3A_279] : memref<20480x2048xf32, #tpu.memory_space<hbm>> -> memref<8x2048xf32, #tpu.memory_space<hbm>>
        tpu.enqueue_dma source(%arg14 : memref<8x2048xf32, #tpu.memory_space<vmem>>) target(%dma_start3A_280 : memref<8x2048xf32, #tpu.memory_space<hbm>>) target_semaphore(%arg27 : memref<!tpu.dma_semaphore, #tpu.memory_space<semaphore_mem>>)
        %add3A_281 = arith.constant 4 : i32
        %add3A_282 = arith.addi %add3A_251, %add3A_281 : i32
        %lt3A_283 = arith.cmpi slt, %add3A_282, %select_n3A_72 : i32
        %convert_element_type3A_284 = arith.extui %lt3A_283 : i1 to i32
        %cond3A_285 = arith.constant 0 : i32
        %cond3A_286 = arith.cmpi ne, %convert_element_type3A_284, %cond3A_285 : i32
        scf.if %cond3A_286 {
          %dma_wait3A_287 = arith.constant 0 : i32
          %dma_wait3A_288 = tpu.memref_slice %arg6[%add3A_50, %dma_wait3A_287] : memref<20480x2048xf32, #tpu.memory_space<hbm>> -> memref<8x2048xf32, #tpu.memory_space<hbm>>
          %dma_wait3A_289 = arith.constant 0 : i32
          %dma_wait3A_290 = tpu.memref_slice %arg6[%add3A_50, %dma_wait3A_289] : memref<20480x2048xf32, #tpu.memory_space<hbm>> -> memref<8x2048xf32, #tpu.memory_space<hbm>>
          tpu.wait_dma2 semaphore(%arg27 : memref<!tpu.dma_semaphore, #tpu.memory_space<semaphore_mem>>) src(%arg14 : memref<8x2048xf32, #tpu.memory_space<vmem>>) dst(%dma_wait3A_290 : memref<8x2048xf32, #tpu.memory_space<hbm>>)
          %add3A_291 = arith.constant 4 : i32
          %add3A_292 = arith.addi %add3A_251, %add3A_291 : i32
          %mul3A_293 = arith.constant 8 : i32
          %mul3A_294 = arith.muli %add3A_292, %mul3A_293 : i32
          %dma_start3A_295 = tpu.memref_slice %arg12[%mul3A_294] : memref<640xi32, #tpu.memory_space<vmem>> -> memref<8xi32, #tpu.memory_space<vmem>>
          %dma_start3A_296 = arith.constant 0 : i32
          %dma_start3A_297 = arith.constant 0 : i32
          %dma_start3A_298 = tpu.memref_slice %arg2[%dma_start3A_296, %dma_start3A_297] : memref<16384x2048xf32, #tpu.memory_space<hbm>> -> memref<16384x2048xf32, #tpu.memory_space<hbm>>
          tpu.enqueue_indirect_dma source(%dma_start3A_298 : memref<16384x2048xf32, #tpu.memory_space<hbm>>) target(%arg14 : memref<8x2048xf32, #tpu.memory_space<vmem>>) offsets(%dma_start3A_295 : memref<8xi32, #tpu.memory_space<vmem>>) semaphore(%arg23 : memref<!tpu.dma_semaphore, #tpu.memory_space<semaphore_mem>>)
        } else {
        }
      } else {
      }
      %add3A_256 = arith.constant 2 : i32
      %add3A_257 = arith.addi %mul3A_243, %add3A_256 : i32
      %lt3A_258 = arith.cmpi slt, %add3A_257, %select_n3A_72 : i32
      %convert_element_type3A_259 = arith.extui %lt3A_258 : i1 to i32
      %cond3A_260 = arith.constant 0 : i32
      %cond3A_261 = arith.cmpi ne, %convert_element_type3A_259, %cond3A_260 : i32
      scf.if %cond3A_261 {
        %dma_wait3A_269 = arith.constant 0 : i32
        %dma_wait3A_270 = tpu.memref_slice %arg12[%dma_wait3A_269] : memref<640xi32, #tpu.memory_space<vmem>> -> memref<8xi32, #tpu.memory_space<vmem>>
        %dma_wait3A_271 = arith.constant 0 : i32
        %dma_wait3A_272 = arith.constant 0 : i32
        %dma_wait3A_273 = tpu.memref_slice %arg2[%dma_wait3A_271, %dma_wait3A_272] : memref<16384x2048xf32, #tpu.memory_space<hbm>> -> memref<16384x2048xf32, #tpu.memory_space<hbm>>
        tpu.wait_indirect_dma semaphore(%arg24 : memref<!tpu.dma_semaphore, #tpu.memory_space<semaphore_mem>>) src(%dma_wait3A_273 : memref<16384x2048xf32, #tpu.memory_space<hbm>>) dst(%arg15 : memref<8x2048xf32, #tpu.memory_space<vmem>>)
        %mul3A_274 = arith.constant 8 : i32
        %mul3A_275 = arith.muli %add3A_257, %mul3A_274 : i32
        %add3A_276 = arith.addi %add3A_50, %mul3A_275 : i32
        %dma_start3A_277 = arith.constant 0 : i32
        %dma_start3A_278 = tpu.memref_slice %arg6[%add3A_276, %dma_start3A_277] : memref<20480x2048xf32, #tpu.memory_space<hbm>> -> memref<8x2048xf32, #tpu.memory_space<hbm>>
        %dma_start3A_279 = arith.constant 0 : i32
        %dma_start3A_280 = tpu.memref_slice %arg6[%add3A_276, %dma_start3A_279] : memref<20480x2048xf32, #tpu.memory_space<hbm>> -> memref<8x2048xf32, #tpu.memory_space<hbm>>
        tpu.enqueue_dma source(%arg15 : memref<8x2048xf32, #tpu.memory_space<vmem>>) target(%dma_start3A_280 : memref<8x2048xf32, #tpu.memory_space<hbm>>) target_semaphore(%arg28 : memref<!tpu.dma_semaphore, #tpu.memory_space<semaphore_mem>>)
        %add3A_281 = arith.constant 4 : i32
        %add3A_282 = arith.addi %add3A_257, %add3A_281 : i32
        %lt3A_283 = arith.cmpi slt, %add3A_282, %select_n3A_72 : i32
        %convert_element_type3A_284 = arith.extui %lt3A_283 : i1 to i32
        %cond3A_285 = arith.constant 0 : i32
        %cond3A_286 = arith.cmpi ne, %convert_element_type3A_284, %cond3A_285 : i32
        scf.if %cond3A_286 {
          %dma_wait3A_287 = arith.constant 0 : i32
          %dma_wait3A_288 = tpu.memref_slice %arg6[%add3A_50, %dma_wait3A_287] : memref<20480x2048xf32, #tpu.memory_space<hbm>> -> memref<8x2048xf32, #tpu.memory_space<hbm>>
          %dma_wait3A_289 = arith.constant 0 : i32
          %dma_wait3A_290 = tpu.memref_slice %arg6[%add3A_50, %dma_wait3A_289] : memref<20480x2048xf32, #tpu.memory_space<hbm>> -> memref<8x2048xf32, #tpu.memory_space<hbm>>
          tpu.wait_dma2 semaphore(%arg28 : memref<!tpu.dma_semaphore, #tpu.memory_space<semaphore_mem>>) src(%arg15 : memref<8x2048xf32, #tpu.memory_space<vmem>>) dst(%dma_wait3A_290 : memref<8x2048xf32, #tpu.memory_space<hbm>>)
          %add3A_291 = arith.constant 4 : i32
          %add3A_292 = arith.addi %add3A_257, %add3A_291 : i32
          %mul3A_293 = arith.constant 8 : i32
          %mul3A_294 = arith.muli %add3A_292, %mul3A_293 : i32
          %dma_start3A_295 = tpu.memref_slice %arg12[%mul3A_294] : memref<640xi32, #tpu.memory_space<vmem>> -> memref<8xi32, #tpu.memory_space<vmem>>
          %dma_start3A_296 = arith.constant 0 : i32
          %dma_start3A_297 = arith.constant 0 : i32
          %dma_start3A_298 = tpu.memref_slice %arg2[%dma_start3A_296, %dma_start3A_297] : memref<16384x2048xf32, #tpu.memory_space<hbm>> -> memref<16384x2048xf32, #tpu.memory_space<hbm>>
          tpu.enqueue_indirect_dma source(%dma_start3A_298 : memref<16384x2048xf32, #tpu.memory_space<hbm>>) target(%arg15 : memref<8x2048xf32, #tpu.memory_space<vmem>>) offsets(%dma_start3A_295 : memref<8xi32, #tpu.memory_space<vmem>>) semaphore(%arg24 : memref<!tpu.dma_semaphore, #tpu.memory_space<semaphore_mem>>)
        } else {
        }
      } else {
      }
      %add3A_262 = arith.constant 3 : i32
      %add3A_263 = arith.addi %mul3A_243, %add3A_262 : i32
      %lt3A_264 = arith.cmpi slt, %add3A_263, %select_n3A_72 : i32
      %convert_element_type3A_265 = arith.extui %lt3A_264 : i1 to i32
      %cond3A_266 = arith.constant 0 : i32
      %cond3A_267 = arith.cmpi ne, %convert_element_type3A_265, %cond3A_266 : i32
      scf.if %cond3A_267 {
        %dma_wait3A_269 = arith.constant 0 : i32
        %dma_wait3A_270 = tpu.memref_slice %arg12[%dma_wait3A_269] : memref<640xi32, #tpu.memory_space<vmem>> -> memref<8xi32, #tpu.memory_space<vmem>>
        %dma_wait3A_271 = arith.constant 0 : i32
        %dma_wait3A_272 = arith.constant 0 : i32
        %dma_wait3A_273 = tpu.memref_slice %arg2[%dma_wait3A_271, %dma_wait3A_272] : memref<16384x2048xf32, #tpu.memory_space<hbm>> -> memref<16384x2048xf32, #tpu.memory_space<hbm>>
        tpu.wait_indirect_dma semaphore(%arg25 : memref<!tpu.dma_semaphore, #tpu.memory_space<semaphore_mem>>) src(%dma_wait3A_273 : memref<16384x2048xf32, #tpu.memory_space<hbm>>) dst(%arg16 : memref<8x2048xf32, #tpu.memory_space<vmem>>)
        %mul3A_274 = arith.constant 8 : i32
        %mul3A_275 = arith.muli %add3A_263, %mul3A_274 : i32
        %add3A_276 = arith.addi %add3A_50, %mul3A_275 : i32
        %dma_start3A_277 = arith.constant 0 : i32
        %dma_start3A_278 = tpu.memref_slice %arg6[%add3A_276, %dma_start3A_277] : memref<20480x2048xf32, #tpu.memory_space<hbm>> -> memref<8x2048xf32, #tpu.memory_space<hbm>>
        %dma_start3A_279 = arith.constant 0 : i32
        %dma_start3A_280 = tpu.memref_slice %arg6[%add3A_276, %dma_start3A_279] : memref<20480x2048xf32, #tpu.memory_space<hbm>> -> memref<8x2048xf32, #tpu.memory_space<hbm>>
        tpu.enqueue_dma source(%arg16 : memref<8x2048xf32, #tpu.memory_space<vmem>>) target(%dma_start3A_280 : memref<8x2048xf32, #tpu.memory_space<hbm>>) target_semaphore(%arg29 : memref<!tpu.dma_semaphore, #tpu.memory_space<semaphore_mem>>)
        %add3A_281 = arith.constant 4 : i32
        %add3A_282 = arith.addi %add3A_263, %add3A_281 : i32
        %lt3A_283 = arith.cmpi slt, %add3A_282, %select_n3A_72 : i32
        %convert_element_type3A_284 = arith.extui %lt3A_283 : i1 to i32
        %cond3A_285 = arith.constant 0 : i32
        %cond3A_286 = arith.cmpi ne, %convert_element_type3A_284, %cond3A_285 : i32
        scf.if %cond3A_286 {
          %dma_wait3A_287 = arith.constant 0 : i32
          %dma_wait3A_288 = tpu.memref_slice %arg6[%add3A_50, %dma_wait3A_287] : memref<20480x2048xf32, #tpu.memory_space<hbm>> -> memref<8x2048xf32, #tpu.memory_space<hbm>>
          %dma_wait3A_289 = arith.constant 0 : i32
          %dma_wait3A_290 = tpu.memref_slice %arg6[%add3A_50, %dma_wait3A_289] : memref<20480x2048xf32, #tpu.memory_space<hbm>> -> memref<8x2048xf32, #tpu.memory_space<hbm>>
          tpu.wait_dma2 semaphore(%arg29 : memref<!tpu.dma_semaphore, #tpu.memory_space<semaphore_mem>>) src(%arg16 : memref<8x2048xf32, #tpu.memory_space<vmem>>) dst(%dma_wait3A_290 : memref<8x2048xf32, #tpu.memory_space<hbm>>)
          %add3A_291 = arith.constant 4 : i32
          %add3A_292 = arith.addi %add3A_263, %add3A_291 : i32
          %mul3A_293 = arith.constant 8 : i32
          %mul3A_294 = arith.muli %add3A_292, %mul3A_293 : i32
          %dma_start3A_295 = tpu.memref_slice %arg12[%mul3A_294] : memref<640xi32, #tpu.memory_space<vmem>> -> memref<8xi32, #tpu.memory_space<vmem>>
          %dma_start3A_296 = arith.constant 0 : i32
          %dma_start3A_297 = arith.constant 0 : i32
          %dma_start3A_298 = tpu.memref_slice %arg2[%dma_start3A_296, %dma_start3A_297] : memref<16384x2048xf32, #tpu.memory_space<hbm>> -> memref<16384x2048xf32, #tpu.memory_space<hbm>>
          tpu.enqueue_indirect_dma source(%dma_start3A_298 : memref<16384x2048xf32, #tpu.memory_space<hbm>>) target(%arg16 : memref<8x2048xf32, #tpu.memory_space<vmem>>) offsets(%dma_start3A_295 : memref<8xi32, #tpu.memory_space<vmem>>) semaphore(%arg25 : memref<!tpu.dma_semaphore, #tpu.memory_space<semaphore_mem>>)
        } else {
        }
      } else {
      }
      %while3A_268 = arith.constant 0 : i32
      scf.yield %while3A_268 : i32
    }
    %gt3A_197 = arith.constant 0 : i32
    %gt3A_198 = arith.cmpi sgt, %select_n3A_72, %gt3A_197 : i32
    %convert_element_type3A_199 = arith.extui %gt3A_198 : i1 to i32
    %cond3A_200 = arith.constant 0 : i32
    %cond3A_201 = arith.cmpi ne, %convert_element_type3A_199, %cond3A_200 : i32
    scf.if %cond3A_201 {
      %dma_wait3A_240 = arith.constant 0 : i32
      %dma_wait3A_241 = tpu.memref_slice %arg6[%add3A_50, %dma_wait3A_240] : memref<20480x2048xf32, #tpu.memory_space<hbm>> -> memref<8x2048xf32, #tpu.memory_space<hbm>>
      %dma_wait3A_242 = arith.constant 0 : i32
      %dma_wait3A_243 = tpu.memref_slice %arg6[%add3A_50, %dma_wait3A_242] : memref<20480x2048xf32, #tpu.memory_space<hbm>> -> memref<8x2048xf32, #tpu.memory_space<hbm>>
      tpu.wait_dma2 semaphore(%arg26 : memref<!tpu.dma_semaphore, #tpu.memory_space<semaphore_mem>>) src(%arg13 : memref<8x2048xf32, #tpu.memory_space<vmem>>) dst(%dma_wait3A_243 : memref<8x2048xf32, #tpu.memory_space<hbm>>)
    } else {
    }
    %gt3A_202 = arith.constant 1 : i32
    %gt3A_203 = arith.cmpi sgt, %select_n3A_72, %gt3A_202 : i32
    %convert_element_type3A_204 = arith.extui %gt3A_203 : i1 to i32
    %cond3A_205 = arith.constant 0 : i32
    %cond3A_206 = arith.cmpi ne, %convert_element_type3A_204, %cond3A_205 : i32
    scf.if %cond3A_206 {
      %dma_wait3A_240 = arith.constant 0 : i32
      %dma_wait3A_241 = tpu.memref_slice %arg6[%add3A_50, %dma_wait3A_240] : memref<20480x2048xf32, #tpu.memory_space<hbm>> -> memref<8x2048xf32, #tpu.memory_space<hbm>>
      %dma_wait3A_242 = arith.constant 0 : i32
      %dma_wait3A_243 = tpu.memref_slice %arg6[%add3A_50, %dma_wait3A_242] : memref<20480x2048xf32, #tpu.memory_space<hbm>> -> memref<8x2048xf32, #tpu.memory_space<hbm>>
      tpu.wait_dma2 semaphore(%arg27 : memref<!tpu.dma_semaphore, #tpu.memory_space<semaphore_mem>>) src(%arg14 : memref<8x2048xf32, #tpu.memory_space<vmem>>) dst(%dma_wait3A_243 : memref<8x2048xf32, #tpu.memory_space<hbm>>)
    } else {
    }
    %gt3A_207 = arith.constant 2 : i32
    %gt3A_208 = arith.cmpi sgt, %select_n3A_72, %gt3A_207 : i32
    %convert_element_type3A_209 = arith.extui %gt3A_208 : i1 to i32
    %cond3A_210 = arith.constant 0 : i32
    %cond3A_211 = arith.cmpi ne, %convert_element_type3A_209, %cond3A_210 : i32
    scf.if %cond3A_211 {
      %dma_wait3A_240 = arith.constant 0 : i32
      %dma_wait3A_241 = tpu.memref_slice %arg6[%add3A_50, %dma_wait3A_240] : memref<20480x2048xf32, #tpu.memory_space<hbm>> -> memref<8x2048xf32, #tpu.memory_space<hbm>>
      %dma_wait3A_242 = arith.constant 0 : i32
      %dma_wait3A_243 = tpu.memref_slice %arg6[%add3A_50, %dma_wait3A_242] : memref<20480x2048xf32, #tpu.memory_space<hbm>> -> memref<8x2048xf32, #tpu.memory_space<hbm>>
      tpu.wait_dma2 semaphore(%arg28 : memref<!tpu.dma_semaphore, #tpu.memory_space<semaphore_mem>>) src(%arg15 : memref<8x2048xf32, #tpu.memory_space<vmem>>) dst(%dma_wait3A_243 : memref<8x2048xf32, #tpu.memory_space<hbm>>)
    } else {
    }
    %gt3A_212 = arith.constant 3 : i32
    %gt3A_213 = arith.cmpi sgt, %select_n3A_72, %gt3A_212 : i32
    %convert_element_type3A_214 = arith.extui %gt3A_213 : i1 to i32
    %cond3A_215 = arith.constant 0 : i32
    %cond3A_216 = arith.cmpi ne, %convert_element_type3A_214, %cond3A_215 : i32
    scf.if %cond3A_216 {
      %dma_wait3A_240 = arith.constant 0 : i32
      %dma_wait3A_241 = tpu.memref_slice %arg6[%add3A_50, %dma_wait3A_240] : memref<20480x2048xf32, #tpu.memory_space<hbm>> -> memref<8x2048xf32, #tpu.memory_space<hbm>>
      %dma_wait3A_242 = arith.constant 0 : i32
      %dma_wait3A_243 = tpu.memref_slice %arg6[%add3A_50, %dma_wait3A_242] : memref<20480x2048xf32, #tpu.memory_space<hbm>> -> memref<8x2048xf32, #tpu.memory_space<hbm>>
      tpu.wait_dma2 semaphore(%arg29 : memref<!tpu.dma_semaphore, #tpu.memory_space<semaphore_mem>>) src(%arg16 : memref<8x2048xf32, #tpu.memory_space<vmem>>) dst(%dma_wait3A_243 : memref<8x2048xf32, #tpu.memory_space<hbm>>)
    } else {
    }
    %gt3A_217 = arith.constant 0 : i32
    %gt3A_218 = arith.cmpi sgt, %sub3A_75, %gt3A_217 : i32
    %convert_element_type3A_219 = arith.extui %gt3A_218 : i1 to i32
    %cond3A_220 = arith.constant 0 : i32
    %cond3A_221 = arith.cmpi ne, %convert_element_type3A_219, %cond3A_220 : i32
    scf.if %cond3A_221 {
      %mul3A_240 = arith.constant 8 : i32
      %mul3A_241 = arith.muli %select_n3A_72, %mul3A_240 : i32
      %dma_start3A_242 = tpu.memref_slice %arg12[%mul3A_241] : memref<640xi32, #tpu.memory_space<vmem>> -> memref<8xi32, #tpu.memory_space<vmem>>
      %dma_start3A_243 = arith.constant 0 : i32
      %dma_start3A_244 = arith.constant 0 : i32
      %dma_start3A_245 = tpu.memref_slice %arg2[%dma_start3A_243, %dma_start3A_244] : memref<16384x2048xf32, #tpu.memory_space<hbm>> -> memref<16384x2048xf32, #tpu.memory_space<hbm>>
      tpu.enqueue_indirect_dma source(%dma_start3A_245 : memref<16384x2048xf32, #tpu.memory_space<hbm>>) target(%arg13 : memref<8x2048xf32, #tpu.memory_space<vmem>>) offsets(%dma_start3A_242 : memref<8xi32, #tpu.memory_space<vmem>>) semaphore(%arg22 : memref<!tpu.dma_semaphore, #tpu.memory_space<semaphore_mem>>)
      %dma_wait3A_246 = arith.constant 0 : i32
      %dma_wait3A_247 = tpu.memref_slice %arg12[%dma_wait3A_246] : memref<640xi32, #tpu.memory_space<vmem>> -> memref<8xi32, #tpu.memory_space<vmem>>
      %dma_wait3A_248 = arith.constant 0 : i32
      %dma_wait3A_249 = arith.constant 0 : i32
      %dma_wait3A_250 = tpu.memref_slice %arg2[%dma_wait3A_248, %dma_wait3A_249] : memref<16384x2048xf32, #tpu.memory_space<hbm>> -> memref<16384x2048xf32, #tpu.memory_space<hbm>>
      tpu.wait_indirect_dma semaphore(%arg22 : memref<!tpu.dma_semaphore, #tpu.memory_space<semaphore_mem>>) src(%dma_wait3A_250 : memref<16384x2048xf32, #tpu.memory_space<hbm>>) dst(%arg13 : memref<8x2048xf32, #tpu.memory_space<vmem>>)
      %mul3A_251 = arith.constant 8 : i32
      %mul3A_252 = arith.muli %select_n3A_72, %mul3A_251 : i32
      %add3A_253 = arith.addi %add3A_50, %mul3A_252 : i32
      %scan3A_254 = arith.constant 0 : i32
      %scan3A_255 = arith.constant 0 : i32
      %scan3A_256 = arith.constant 8 : i32
      %scan3A_257 = arith.addi %scan3A_255, %scan3A_256 : i32
      %scan3A_258 = arith.constant 1 : i32
      %scan3A_259 = scf.for %scan3A_261 = %scan3A_255 to %scan3A_257 step %scan3A_258 iter_args(%scan3A_262 = %scan3A_254) -> (i32)  : i32 {
        %lt3A_263 = arith.cmpi slt, %scan3A_261, %sub3A_75 : i32
        %convert_element_type3A_264 = arith.extui %lt3A_263 : i1 to i32
        %cond3A_265 = arith.constant 0 : i32
        %cond3A_266 = arith.cmpi ne, %convert_element_type3A_264, %cond3A_265 : i32
        scf.if %cond3A_266 {
          %add3A_271 = arith.addi %add3A_253, %scan3A_261 : i32
          %dma_start3A_272 = arith.constant 0 : i32
          %dma_start3A_273 = tpu.memref_slice %arg13[%scan3A_261, %dma_start3A_272] : memref<8x2048xf32, #tpu.memory_space<vmem>> -> memref<1x2048xf32, #tpu.memory_space<vmem>>
          %dma_start3A_274 = arith.constant 0 : i32
          %dma_start3A_275 = tpu.memref_slice %arg6[%add3A_271, %dma_start3A_274] : memref<20480x2048xf32, #tpu.memory_space<hbm>> -> memref<1x2048xf32, #tpu.memory_space<hbm>>
          %dma_start3A_276 = arith.constant 0 : i32
          %dma_start3A_277 = tpu.memref_slice %arg6[%add3A_271, %dma_start3A_276] : memref<20480x2048xf32, #tpu.memory_space<hbm>> -> memref<1x2048xf32, #tpu.memory_space<hbm>>
          %dma_start3A_278 = arith.constant 0 : i32
          %dma_start3A_279 = tpu.memref_slice %arg13[%scan3A_261, %dma_start3A_278] : memref<8x2048xf32, #tpu.memory_space<vmem>> -> memref<1x2048xf32, #tpu.memory_space<vmem>>
          tpu.enqueue_dma source(%dma_start3A_279 : memref<1x2048xf32, #tpu.memory_space<vmem>>) target(%dma_start3A_277 : memref<1x2048xf32, #tpu.memory_space<hbm>>) target_semaphore(%arg32 : memref<!tpu.dma_semaphore, #tpu.memory_space<semaphore_mem>>)
        } else {
        }
        %ge3A = arith.cmpi sge, %scan3A_261, %sub3A_75 : i32
        %convert_element_type3A_267 = arith.extui %ge3A : i1 to i32
        %cond3A_268 = arith.constant 0 : i32
        %cond3A_269 = arith.cmpi ne, %convert_element_type3A_267, %cond3A_268 : i32
        scf.if %cond3A_269 {
          %add3A_271 = arith.addi %add3A_253, %scan3A_261 : i32
          %dma_start3A_272 = arith.constant 0 : i32
          %dma_start3A_273 = tpu.memref_slice %arg17[%scan3A_261, %dma_start3A_272] : memref<8x2048xf32, #tpu.memory_space<vmem>> -> memref<1x2048xf32, #tpu.memory_space<vmem>>
          %dma_start3A_274 = arith.constant 0 : i32
          %dma_start3A_275 = tpu.memref_slice %arg6[%add3A_271, %dma_start3A_274] : memref<20480x2048xf32, #tpu.memory_space<hbm>> -> memref<1x2048xf32, #tpu.memory_space<hbm>>
          %dma_start3A_276 = arith.constant 0 : i32
          %dma_start3A_277 = tpu.memref_slice %arg6[%add3A_271, %dma_start3A_276] : memref<20480x2048xf32, #tpu.memory_space<hbm>> -> memref<1x2048xf32, #tpu.memory_space<hbm>>
          %dma_start3A_278 = arith.constant 0 : i32
          %dma_start3A_279 = tpu.memref_slice %arg17[%scan3A_261, %dma_start3A_278] : memref<8x2048xf32, #tpu.memory_space<vmem>> -> memref<1x2048xf32, #tpu.memory_space<vmem>>
          tpu.enqueue_dma source(%dma_start3A_279 : memref<1x2048xf32, #tpu.memory_space<vmem>>) target(%dma_start3A_277 : memref<1x2048xf32, #tpu.memory_space<hbm>>) target_semaphore(%arg32 : memref<!tpu.dma_semaphore, #tpu.memory_space<semaphore_mem>>)
        } else {
        }
        %scan3A_270 = arith.constant 0 : i32
        scf.yield %scan3A_270 : i32
      }
      %scan3A_260 = arith.constant 8 : i32
    } else {
    }
    %gt3A_222 = arith.constant 0 : i32
    %gt3A_223 = arith.cmpi sgt, %sub3A_75, %gt3A_222 : i32
    %jit3A_224 = arith.constant 1 : i32
    %jit3A_225 = arith.constant 0 : i32
    %select_n3A_226 = arith.select %gt3A_223, %jit3A_224, %jit3A_225 : i32
    %add3A_227 = arith.addi %select_n3A_72, %select_n3A_226 : i32
    %scan3A_228 = arith.constant 0 : i32
    %scan3A_229 = arith.constant 0 : i32
    %scan3A_230 = arith.constant 20 : i32
    %scan3A_231 = arith.addi %scan3A_229, %scan3A_230 : i32
    %scan3A_232 = arith.constant 1 : i32
    %scan3A_233 = scf.for %scan3A_240 = %scan3A_229 to %scan3A_231 step %scan3A_232 iter_args(%scan3A_241 = %scan3A_228) -> (i32)  : i32 {
      %mul3A_242 = arith.constant 4 : i32
      %mul3A_243 = arith.muli %scan3A_240, %mul3A_242 : i32
      %add3A_244 = arith.addi %add3A_227, %mul3A_243 : i32
      %add3A_245 = arith.constant 0 : i32
      %add3A_246 = arith.addi %add3A_244, %add3A_245 : i32
      %lt3A_247 = arith.constant 80 : i32
      %lt3A_248 = arith.cmpi slt, %add3A_246, %lt3A_247 : i32
      %convert_element_type3A_249 = arith.extui %lt3A_248 : i1 to i32
      %cond3A_250 = arith.constant 0 : i32
      %cond3A_251 = arith.cmpi ne, %convert_element_type3A_249, %cond3A_250 : i32
      scf.if %cond3A_251 {
        %add3A_302 = arith.constant 0 : i32
        %add3A_303 = arith.addi %add3A_244, %add3A_302 : i32
        %mul3A_304 = arith.constant 8 : i32
        %mul3A_305 = arith.muli %add3A_303, %mul3A_304 : i32
        %add3A_306 = arith.addi %add3A_50, %mul3A_305 : i32
        %dma_start3A_307 = arith.constant 0 : i32
        %dma_start3A_308 = tpu.memref_slice %arg6[%add3A_306, %dma_start3A_307] : memref<20480x2048xf32, #tpu.memory_space<hbm>> -> memref<8x2048xf32, #tpu.memory_space<hbm>>
        %dma_start3A_309 = arith.constant 0 : i32
        %dma_start3A_310 = tpu.memref_slice %arg6[%add3A_306, %dma_start3A_309] : memref<20480x2048xf32, #tpu.memory_space<hbm>> -> memref<8x2048xf32, #tpu.memory_space<hbm>>
        tpu.enqueue_dma source(%arg17 : memref<8x2048xf32, #tpu.memory_space<vmem>>) target(%dma_start3A_310 : memref<8x2048xf32, #tpu.memory_space<hbm>>) target_semaphore(%arg30 : memref<!tpu.dma_semaphore, #tpu.memory_space<semaphore_mem>>)
      } else {
      }
      %add3A_252 = arith.constant 1 : i32
      %add3A_253 = arith.addi %add3A_244, %add3A_252 : i32
      %lt3A_254 = arith.constant 80 : i32
      %lt3A_255 = arith.cmpi slt, %add3A_253, %lt3A_254 : i32
      %convert_element_type3A_256 = arith.extui %lt3A_255 : i1 to i32
      %cond3A_257 = arith.constant 0 : i32
      %cond3A_258 = arith.cmpi ne, %convert_element_type3A_256, %cond3A_257 : i32
      scf.if %cond3A_258 {
        %add3A_302 = arith.constant 1 : i32
        %add3A_303 = arith.addi %add3A_244, %add3A_302 : i32
        %mul3A_304 = arith.constant 8 : i32
        %mul3A_305 = arith.muli %add3A_303, %mul3A_304 : i32
        %add3A_306 = arith.addi %add3A_50, %mul3A_305 : i32
        %dma_start3A_307 = arith.constant 0 : i32
        %dma_start3A_308 = tpu.memref_slice %arg6[%add3A_306, %dma_start3A_307] : memref<20480x2048xf32, #tpu.memory_space<hbm>> -> memref<8x2048xf32, #tpu.memory_space<hbm>>
        %dma_start3A_309 = arith.constant 0 : i32
        %dma_start3A_310 = tpu.memref_slice %arg6[%add3A_306, %dma_start3A_309] : memref<20480x2048xf32, #tpu.memory_space<hbm>> -> memref<8x2048xf32, #tpu.memory_space<hbm>>
        tpu.enqueue_dma source(%arg17 : memref<8x2048xf32, #tpu.memory_space<vmem>>) target(%dma_start3A_310 : memref<8x2048xf32, #tpu.memory_space<hbm>>) target_semaphore(%arg30 : memref<!tpu.dma_semaphore, #tpu.memory_space<semaphore_mem>>)
      } else {
      }
      %add3A_259 = arith.constant 2 : i32
      %add3A_260 = arith.addi %add3A_244, %add3A_259 : i32
      %lt3A_261 = arith.constant 80 : i32
      %lt3A_262 = arith.cmpi slt, %add3A_260, %lt3A_261 : i32
      %convert_element_type3A_263 = arith.extui %lt3A_262 : i1 to i32
      %cond3A_264 = arith.constant 0 : i32
      %cond3A_265 = arith.cmpi ne, %convert_element_type3A_263, %cond3A_264 : i32
      scf.if %cond3A_265 {
        %add3A_302 = arith.constant 2 : i32
        %add3A_303 = arith.addi %add3A_244, %add3A_302 : i32
        %mul3A_304 = arith.constant 8 : i32
        %mul3A_305 = arith.muli %add3A_303, %mul3A_304 : i32
        %add3A_306 = arith.addi %add3A_50, %mul3A_305 : i32
        %dma_start3A_307 = arith.constant 0 : i32
        %dma_start3A_308 = tpu.memref_slice %arg6[%add3A_306, %dma_start3A_307] : memref<20480x2048xf32, #tpu.memory_space<hbm>> -> memref<8x2048xf32, #tpu.memory_space<hbm>>
        %dma_start3A_309 = arith.constant 0 : i32
        %dma_start3A_310 = tpu.memref_slice %arg6[%add3A_306, %dma_start3A_309] : memref<20480x2048xf32, #tpu.memory_space<hbm>> -> memref<8x2048xf32, #tpu.memory_space<hbm>>
        tpu.enqueue_dma source(%arg17 : memref<8x2048xf32, #tpu.memory_space<vmem>>) target(%dma_start3A_310 : memref<8x2048xf32, #tpu.memory_space<hbm>>) target_semaphore(%arg30 : memref<!tpu.dma_semaphore, #tpu.memory_space<semaphore_mem>>)
      } else {
      }
      %add3A_266 = arith.constant 3 : i32
      %add3A_267 = arith.addi %add3A_244, %add3A_266 : i32
      %lt3A_268 = arith.constant 80 : i32
      %lt3A_269 = arith.cmpi slt, %add3A_267, %lt3A_268 : i32
      %convert_element_type3A_270 = arith.extui %lt3A_269 : i1 to i32
      %cond3A_271 = arith.constant 0 : i32
      %cond3A_272 = arith.cmpi ne, %convert_element_type3A_270, %cond3A_271 : i32
      scf.if %cond3A_272 {
        %add3A_302 = arith.constant 3 : i32
        %add3A_303 = arith.addi %add3A_244, %add3A_302 : i32
        %mul3A_304 = arith.constant 8 : i32
        %mul3A_305 = arith.muli %add3A_303, %mul3A_304 : i32
        %add3A_306 = arith.addi %add3A_50, %mul3A_305 : i32
        %dma_start3A_307 = arith.constant 0 : i32
        %dma_start3A_308 = tpu.memref_slice %arg6[%add3A_306, %dma_start3A_307] : memref<20480x2048xf32, #tpu.memory_space<hbm>> -> memref<8x2048xf32, #tpu.memory_space<hbm>>
        %dma_start3A_309 = arith.constant 0 : i32
        %dma_start3A_310 = tpu.memref_slice %arg6[%add3A_306, %dma_start3A_309] : memref<20480x2048xf32, #tpu.memory_space<hbm>> -> memref<8x2048xf32, #tpu.memory_space<hbm>>
        tpu.enqueue_dma source(%arg17 : memref<8x2048xf32, #tpu.memory_space<vmem>>) target(%dma_start3A_310 : memref<8x2048xf32, #tpu.memory_space<hbm>>) target_semaphore(%arg30 : memref<!tpu.dma_semaphore, #tpu.memory_space<semaphore_mem>>)
      } else {
      }
      %add3A_273 = arith.constant 0 : i32
      %add3A_274 = arith.addi %add3A_244, %add3A_273 : i32
      %lt3A_275 = arith.constant 80 : i32
      %lt3A_276 = arith.cmpi slt, %add3A_274, %lt3A_275 : i32
      %convert_element_type3A_277 = arith.extui %lt3A_276 : i1 to i32
      %cond3A_278 = arith.constant 0 : i32
      %cond3A_279 = arith.cmpi ne, %convert_element_type3A_277, %cond3A_278 : i32
      scf.if %cond3A_279 {
        %dma_wait3A_302 = arith.constant 0 : i32
        %dma_wait3A_303 = tpu.memref_slice %arg6[%add3A_50, %dma_wait3A_302] : memref<20480x2048xf32, #tpu.memory_space<hbm>> -> memref<8x2048xf32, #tpu.memory_space<hbm>>
        %dma_wait3A_304 = arith.constant 0 : i32
        %dma_wait3A_305 = tpu.memref_slice %arg6[%add3A_50, %dma_wait3A_304] : memref<20480x2048xf32, #tpu.memory_space<hbm>> -> memref<8x2048xf32, #tpu.memory_space<hbm>>
        tpu.wait_dma2 semaphore(%arg30 : memref<!tpu.dma_semaphore, #tpu.memory_space<semaphore_mem>>) src(%arg17 : memref<8x2048xf32, #tpu.memory_space<vmem>>) dst(%dma_wait3A_305 : memref<8x2048xf32, #tpu.memory_space<hbm>>)
      } else {
      }
      %add3A_280 = arith.constant 1 : i32
      %add3A_281 = arith.addi %add3A_244, %add3A_280 : i32
      %lt3A_282 = arith.constant 80 : i32
      %lt3A_283 = arith.cmpi slt, %add3A_281, %lt3A_282 : i32
      %convert_element_type3A_284 = arith.extui %lt3A_283 : i1 to i32
      %cond3A_285 = arith.constant 0 : i32
      %cond3A_286 = arith.cmpi ne, %convert_element_type3A_284, %cond3A_285 : i32
      scf.if %cond3A_286 {
        %dma_wait3A_302 = arith.constant 0 : i32
        %dma_wait3A_303 = tpu.memref_slice %arg6[%add3A_50, %dma_wait3A_302] : memref<20480x2048xf32, #tpu.memory_space<hbm>> -> memref<8x2048xf32, #tpu.memory_space<hbm>>
        %dma_wait3A_304 = arith.constant 0 : i32
        %dma_wait3A_305 = tpu.memref_slice %arg6[%add3A_50, %dma_wait3A_304] : memref<20480x2048xf32, #tpu.memory_space<hbm>> -> memref<8x2048xf32, #tpu.memory_space<hbm>>
        tpu.wait_dma2 semaphore(%arg30 : memref<!tpu.dma_semaphore, #tpu.memory_space<semaphore_mem>>) src(%arg17 : memref<8x2048xf32, #tpu.memory_space<vmem>>) dst(%dma_wait3A_305 : memref<8x2048xf32, #tpu.memory_space<hbm>>)
      } else {
      }
      %add3A_287 = arith.constant 2 : i32
      %add3A_288 = arith.addi %add3A_244, %add3A_287 : i32
      %lt3A_289 = arith.constant 80 : i32
      %lt3A_290 = arith.cmpi slt, %add3A_288, %lt3A_289 : i32
      %convert_element_type3A_291 = arith.extui %lt3A_290 : i1 to i32
      %cond3A_292 = arith.constant 0 : i32
      %cond3A_293 = arith.cmpi ne, %convert_element_type3A_291, %cond3A_292 : i32
      scf.if %cond3A_293 {
        %dma_wait3A_302 = arith.constant 0 : i32
        %dma_wait3A_303 = tpu.memref_slice %arg6[%add3A_50, %dma_wait3A_302] : memref<20480x2048xf32, #tpu.memory_space<hbm>> -> memref<8x2048xf32, #tpu.memory_space<hbm>>
        %dma_wait3A_304 = arith.constant 0 : i32
        %dma_wait3A_305 = tpu.memref_slice %arg6[%add3A_50, %dma_wait3A_304] : memref<20480x2048xf32, #tpu.memory_space<hbm>> -> memref<8x2048xf32, #tpu.memory_space<hbm>>
        tpu.wait_dma2 semaphore(%arg30 : memref<!tpu.dma_semaphore, #tpu.memory_space<semaphore_mem>>) src(%arg17 : memref<8x2048xf32, #tpu.memory_space<vmem>>) dst(%dma_wait3A_305 : memref<8x2048xf32, #tpu.memory_space<hbm>>)
      } else {
      }
      %add3A_294 = arith.constant 3 : i32
      %add3A_295 = arith.addi %add3A_244, %add3A_294 : i32
      %lt3A_296 = arith.constant 80 : i32
      %lt3A_297 = arith.cmpi slt, %add3A_295, %lt3A_296 : i32
      %convert_element_type3A_298 = arith.extui %lt3A_297 : i1 to i32
      %cond3A_299 = arith.constant 0 : i32
      %cond3A_300 = arith.cmpi ne, %convert_element_type3A_298, %cond3A_299 : i32
      scf.if %cond3A_300 {
        %dma_wait3A_302 = arith.constant 0 : i32
        %dma_wait3A_303 = tpu.memref_slice %arg6[%add3A_50, %dma_wait3A_302] : memref<20480x2048xf32, #tpu.memory_space<hbm>> -> memref<8x2048xf32, #tpu.memory_space<hbm>>
        %dma_wait3A_304 = arith.constant 0 : i32
        %dma_wait3A_305 = tpu.memref_slice %arg6[%add3A_50, %dma_wait3A_304] : memref<20480x2048xf32, #tpu.memory_space<hbm>> -> memref<8x2048xf32, #tpu.memory_space<hbm>>
        tpu.wait_dma2 semaphore(%arg30 : memref<!tpu.dma_semaphore, #tpu.memory_space<semaphore_mem>>) src(%arg17 : memref<8x2048xf32, #tpu.memory_space<vmem>>) dst(%dma_wait3A_305 : memref<8x2048xf32, #tpu.memory_space<hbm>>)
      } else {
      }
      %scan3A_301 = arith.constant 0 : i32
      scf.yield %scan3A_301 : i32
    }
    %scan3A_234 = arith.constant 20 : i32
    %gt3A_235 = arith.constant 0 : i32
    %gt3A_236 = arith.cmpi sgt, %sub3A_75, %gt3A_235 : i32
    %convert_element_type3A_237 = arith.extui %gt3A_236 : i1 to i32
    %cond3A_238 = arith.constant 0 : i32
    %cond3A_239 = arith.cmpi ne, %convert_element_type3A_237, %cond3A_238 : i32
    scf.if %cond3A_239 {
      %scan3A_240 = arith.constant 0 : i32
      %scan3A_241 = arith.constant 0 : i32
      %scan3A_242 = arith.constant 8 : i32
      %scan3A_243 = arith.addi %scan3A_241, %scan3A_242 : i32
      %scan3A_244 = arith.constant 1 : i32
      %scan3A_245 = scf.for %scan3A_247 = %scan3A_241 to %scan3A_243 step %scan3A_244 iter_args(%scan3A_248 = %scan3A_240) -> (i32)  : i32 {
        %dma_wait3A_249 = arith.constant 0 : i32
        %dma_wait3A_250 = arith.constant 0 : i32
        %dma_wait3A_251 = tpu.memref_slice %arg17[%dma_wait3A_249, %dma_wait3A_250] : memref<8x2048xf32, #tpu.memory_space<vmem>> -> memref<1x2048xf32, #tpu.memory_space<vmem>>
        %dma_wait3A_252 = arith.constant 0 : i32
        %dma_wait3A_253 = tpu.memref_slice %arg6[%add3A_50, %dma_wait3A_252] : memref<20480x2048xf32, #tpu.memory_space<hbm>> -> memref<1x2048xf32, #tpu.memory_space<hbm>>
        %dma_wait3A_254 = arith.constant 0 : i32
        %dma_wait3A_255 = tpu.memref_slice %arg6[%add3A_50, %dma_wait3A_254] : memref<20480x2048xf32, #tpu.memory_space<hbm>> -> memref<1x2048xf32, #tpu.memory_space<hbm>>
        %dma_wait3A_256 = arith.constant 0 : i32
        %dma_wait3A_257 = arith.constant 0 : i32
        %dma_wait3A_258 = tpu.memref_slice %arg17[%dma_wait3A_256, %dma_wait3A_257] : memref<8x2048xf32, #tpu.memory_space<vmem>> -> memref<1x2048xf32, #tpu.memory_space<vmem>>
        tpu.wait_dma2 semaphore(%arg32 : memref<!tpu.dma_semaphore, #tpu.memory_space<semaphore_mem>>) src(%dma_wait3A_258 : memref<1x2048xf32, #tpu.memory_space<vmem>>) dst(%dma_wait3A_255 : memref<1x2048xf32, #tpu.memory_space<hbm>>)
        %scan3A_259 = arith.constant 0 : i32
        scf.yield %scan3A_259 : i32
      }
      %scan3A_246 = arith.constant 8 : i32
    } else {
    }
    return
  }
}

</mosaic_0001>

<sc_bundles>
// kernel: _dispatch.3.cloned.1.call-start
scs
__scs_entry_jumppad:
0x0: {  	(pc) =	sbr.rel $0x88, $3  }
0x1: {  	(tag) =	ssettag $0x0;
	lr =	simm.s32 $0x1  }
0x2: {  	[smem:$0x3F9E] =	sst lr;
	_ =	strace $0xD0000000  }
0x3: {  	_ = 	snop  }
0x4: {  	_ = 	snop  }
0x5: {  	_ = 	snop  }
0x6: {  	_ = 	snop  }
0x7: {  	_ = 	snop  }
__scs_overlays_trampoline_lowered:
0x8: {  	[smem:$0x3FAD] =	sst s0  }
0x9: {  	[smem:$0x3FAE] =	sst s1  }
0xa: {  	[smem:$0x3FAF] =	sst s2  }
0xb: {  	[smem:$0x3FB0] =	sst s3  }
0xc: {  	[smem:$0x3FB1] =	sst s4  }
0xd: {  	[smem:$0x3FB2] =	sst s5  }
0xe: {  	[smem:$0x3FB3] =	sst s6  }
0xf: {  	[smem:$0x3FB4] =	sst s7  }
0x10: {  	[smem:$0x3FB5] =	sst s8  }
0x11: {  	[smem:$0x3FB6] =	sst s9;
	s0 =	simm.s32 @!p0 $0x0  }
0x12: {  	s1 =	sld [smem:$0x3F9C];
	s0 =	simm.s32 @p0 $0x1  }
0x13: {  	[smem:$0x3FB7] =	sst s0;
	s0 =	simm.s32 @!p1 $0x0  }
0x14: {  	s2 =	sld [smem:$0x3F9B];
	s0 =	simm.s32 @p1 $0x1  }
0x15: {  	[smem:$0x3FB8] =	sst s0;
	s0 =	simm.s32 @!p2 $0x0  }
0x16: {  	s3 =	sld [smem:$0x3FDB];
	s0 =	simm.s32 @p2 $0x1  }
0x17: {  	s4 =	simm.s32 $0x1BF5;
	[smem:$0x3FBA] =	sst s0  }
0x18: {  	s0 =	sld [smem:$0x3F9D];
	_ =	swait.ge [sflag:s4], $0x0  }
0x19: {  	s7 =	sld [smem:$0x3F9E]  }
0x1a: {  	s8 =	sadd.s32 $0xFFFFE003, lr  }
0x1b: {  	s9 =	sadd.s32 $0xFFFFFEF7, lr;
	s5 =	simm.s32 $0xFFFFFFFF;
	p2 =	slt.u32 s8, $0xFFFFF086  }
0x1c: {  	p1 =	slt.u32 s9, $0xF7A;
	s5 =	simm.s32 @!p2 $0x0  }
0x1d: {  	s5 =	simm.s32 @p1 $0x1;
	p0 =	seq.s32 s7, s2  }
0x1e: {  	s7 =	smul.u32 @!p0 $0xF7A, s2;
	p2 =	seq.s32 @!p0 s5, $0x0  }
0x1f: {  	s9 =	smul.u32 $0xF7A, s1;
	s8 =	simm.s32 @!p0 $0x1BF5;
	p2 =	por !p2, p0  }
0x20: {  	[sflag:s8] =	ssyncset.s32 @!p0 $0xFFFFF086;
	s6 =	sadd.s32 @!p0 s3, s7;
	s7 =	simm.s32 @!p0 $0x108  }
0x21: {  	s3 =	sadd.s32 s3, s9;
	s6 =	sadd.s32 @!p0 $0x88, s6;
	s7 =	simm.s32 @p2 $0x1082  }
0x22: {  	[simem:s7], [sflag:s8] =	dma.local @!p0 [hbm:s6], $0xF7A  }
0x23: {  	s9 =	sor.u32 $0xD0000000, s2;
	s6 =	simm.s32 $0x108;
	_ =	swait.ge @!p0 [sflag:s8], $0x0  }
0x24: {  	s3 =	sadd.s32 $0x88, s3;
	s6 =	simm.s32 @!p1 $0x1082;
	[sflag:s4] =	ssyncset.s32 $0xFFFFF086  }
0x25: {  	[simem:s6], [sflag:s4] =	dma.local [hbm:s3], $0xF7A  }
0x26: {  	[smem:$0x3F9E] =	sst s1;
	(tag) =	ssettag s2;
	_ =	strace s9  }
0x27: {  	s1 =	sld [smem:$0x3FAE]  }
0x28: {  	s2 =	sld [smem:$0x3FAF]  }
0x29: {  	s4 =	sld [smem:$0x3FB1]  }
0x2a: {  	p0 =	seq.s32 s5, $0x0;
	s5 =	sld [smem:$0x3FB2]  }
0x2b: {  	s6 =	sld [smem:$0x3FB3]  }
0x2c: {  	s7 =	sld [smem:$0x3FB4]  }
0x2d: {  	s3 =	simm.s32 $0x108;
	s8 =	sld [smem:$0x3FB5]  }
0x2e: {  	s3 =	simm.s32 @!p0 $0x1082;
	s9 =	sld [smem:$0x3FB6]  }
0x2f: {  	lr =	sadd.s32 s0, s3;
	s0 =	sld [smem:$0x3FAD]  }
0x30: {  	s3 =	sld [smem:$0x3FB0]  }
0x31: {  	[smem:$0x3FB9] =	sst s10  }
0x32: {  	s10 =	sld [smem:$0x3FB7];
	_ =	sdelay $0x3  }
0x33: {  	p0 =	seq.s32 s10, $0x1;
	s10 =	sld [smem:$0x3FB9];
	_ =	sdelay $0x3  }
0x34: {  	[smem:$0x3FB9] =	sst s10  }
0x35: {  	s10 =	sld [smem:$0x3FB8];
	_ =	sdelay $0x3  }
0x36: {  	p1 =	seq.s32 s10, $0x1;
	s10 =	sld [smem:$0x3FB9];
	_ =	sdelay $0x3  }
0x37: {  	[smem:$0x3FB9] =	sst s10  }
0x38: {  	s10 =	sld [smem:$0x3FBA]  }
0x39: {  	_ = 	snop;
	(pc) =	sbr.ind lr, $3  }
0x3a: {  	_ = 	snop  }
0x3b: {  	_ = 	snop  }
0x3c: {  	p2 =	seq.s32 s10, $0x1;
	s10 =	sld [smem:$0x3FB9]  }
0x3d: {  	_ =	shalt  }
0x3e: {  	_ =	shalt  }
0x3f: {  	_ =	shalt  }
0x40: {  	_ =	shalt  }
0x41: {  	_ =	shalt  }
0x42: {  	_ =	shalt  }
0x43: {  	_ =	shalt  }
0x44: {  	_ =	shalt  }
0x45: {  	_ =	shalt  }
0x46: {  	_ =	shalt  }
0x47: {  	_ =	shalt  }
0x48: {  	_ =	shalt  }
0x49: {  	_ =	shalt  }
0x4a: {  	_ =	shalt  }
0x4b: {  	_ =	shalt  }
0x4c: {  	_ =	shalt  }
0x4d: {  	_ =	shalt  }
0x4e: {  	_ =	shalt  }
0x4f: {  	_ =	shalt  }
0x50: {  	_ =	shalt  }
0x51: {  	_ =	shalt  }
0x52: {  	_ =	shalt  }
0x53: {  	_ =	shalt  }
0x54: {  	_ =	shalt  }
0x55: {  	_ =	shalt  }
0x56: {  	_ =	shalt  }
0x57: {  	_ =	shalt  }
0x58: {  	_ =	shalt  }
0x59: {  	_ =	shalt  }
0x5a: {  	_ =	shalt  }
0x5b: {  	_ =	shalt  }
0x5c: {  	_ =	shalt  }
0x5d: {  	_ =	shalt  }
0x5e: {  	_ =	shalt  }
0x5f: {  	_ =	shalt  }
0x60: {  	_ =	shalt  }
0x61: {  	_ =	shalt  }
0x62: {  	_ =	shalt  }
0x63: {  	_ =	shalt  }
0x64: {  	_ =	shalt  }
0x65: {  	_ =	shalt  }
0x66: {  	_ =	shalt  }
0x67: {  	_ =	shalt  }
0x68: {  	_ =	shalt  }
0x69: {  	_ =	shalt  }
0x6a: {  	_ =	shalt  }
0x6b: {  	_ =	shalt  }
0x6c: {  	_ =	shalt  }
0x6d: {  	_ =	shalt  }
0x6e: {  	_ =	shalt  }
0x6f: {  	_ =	shalt  }
0x70: {  	_ =	shalt  }
0x71: {  	_ =	shalt  }
0x72: {  	_ =	shalt  }
0x73: {  	_ =	shalt  }
0x74: {  	_ =	shalt  }
0x75: {  	_ =	shalt  }
0x76: {  	_ =	shalt  }
0x77: {  	_ =	shalt  }
0x78: {  	_ =	shalt  }
0x79: {  	_ =	shalt  }
0x7a: {  	_ =	shalt  }
0x7b: {  	_ =	shalt  }
0x7c: {  	_ =	shalt  }
0x7d: {  	_ =	shalt  }
0x7e: {  	_ =	shalt  }
0x7f: {  	_ =	shalt  }
0x80: {  	_ =	shalt  }
0x81: {  	_ =	shalt  }
0x82: {  	_ =	shalt  }
0x83: {  	_ =	shalt  }
0x84: {  	_ =	shalt  }
0x85: {  	_ =	shalt  }
0x86: {  	_ =	shalt  }
0x87: {  	_ =	shalt  }
.Lfunc_end0:
.L_simem_size_0:
called_computation_lowered:
.L_overlay_start_0:
0x88: {  	s2 =	sld [smem:$0x3FD9]  }
0x89: {  	s3 =	sld [smem:$0x3FFE];
	_ =	sdelay $0x1  }
0x8a: {  	s1 =	srdreg.scid  }
0x8b: {  	s0 =	sand.u32 $0x1, s1  }
0x8c: {  	s14 =	sshll.u32 s0, $0xA;
	s2 =	sadd.s32 s3, s2  }
0x8d: {  	s2 =	sadd.s32 s2, s14  }
0x8e: {  	[smem:$0x3FC5] =	sst s2  }
0x8f: {  	_ = 	snop  }
0x90: {  	s2 =	sld [smem:$0x3FD0]  }
0x91: {  	s15 =	sld [smem:$0x3FC9]  }
0x92: {  	s4 =	sld [smem:$0x3FC8]  }
0x93: {  	s6 =	simm.s32 $0xA;
	s7 =	simm.s32 $0x10;
	s5 =	sld [smem:$0x3FC7]  }
0x94: {  	[smem:s7], [sflag:s6] =	dma.local [hbm:s2], $0x1  }
0x95: {  	_ =	swait.eq [sflag:s6], $0x1  }
0x96: {  	s16 =	sld [smem:$0x10]  }
0x97: {  	s17 =	sld [smem:$0x11];
	[sflag:s6] =	ssyncset.done $0x0  }
0x98: {  	s8 =	sld [smem:$0x12];
	[sflag:s6] =	ssyncadd.s32 $0xFFFFFFFF  }
0x99: {  	s18 =	sld [smem:$0x13];
	(tm) =	ssettm $0x1  }
0x9a: {  	s9 =	sld [smem:$0x3FFB];
	_ =	sdelay $0x3  }
0x9b: {  	_ =	strace s9  }
0x9c: {  	s9 =	sld [smem:$0x3FFC];
	_ =	sdelay $0x3  }
0x9d: {  	_ =	strace s9  }
0x9e: {  	s9 =	sld [smem:$0x3FFD];
	_ =	sdelay $0x3  }
0x9f: {  	_ =	strace s9  }
0xa0: {  	_ =	strace $0x8FFFFFFF  }
0xa1: {  	s19 =	sld [smem:$0x3FDB];
	_ =	sdelay $0x1  }
0xa2: {  	s10 =	simm.s32 $_scs_section_size  }
0xa3: {  	s11 =	simm.s32 $_size__tile_overlayer_lowered;
	s12 =	simm.s32 $_tile_overlayer_lowered  }
0xa4: {  	s22 =	simm.s32 $0x1BFF;
	s21 =	sshll.u32 s12, $0x1;
	s9 =	sadd.s32 s10, s19  }
0xa5: {  	s13 =	simm.s32 $0x0;
	s20 =	sshll.u32 s11, $0x1;
	s11 =	sadd.s32 s21, s9  }
0xa6: {  	[timem:s13], [sflag:s22] =	dma.local [hbm:s11], s20  }
0xa7: {  	_ =	swait.ge [sflag:s22], s20  }
0xa8: {  	s10 =	ssub.s32 $0x0, s20;
	[sflag:s22] =	ssyncset.done $0x0  }
0xa9: {  	[sflag:s22] =	ssyncadd.s32 s10;
	_ =	sdelay $0x1  }
0xaa: {  	s23 =	simm.s32 $0x1B8B  }
0xab: {  	_ =	swait.ge [sflag:s23], $0x1  }
0xac: {  	[sflag:s23] =	ssyncset.done $0x0  }
0xad: {  	s25 =	simm.s32 $0x1B8E;
	s24 =	sld [smem:$0x3FFE];
	[sflag:s23] =	ssyncadd.s32 $0xFFFFFFFF  }
0xae: {  	s26 =	simm.s32 $execute0_lowered;
	[smem:$0x3FD2] =	sst s25  }
0xaf: {  	s11 =	sshll.u32 s26, $0x1;
	_ =	strace $0x80000046;
	[dreg:$0x1] =	wrdreg $0xFFFFFFFF  }
0xb0: {  	s28 =	simm.s32 $_size_execute0_lowered;
	s9 =	sadd.s32 s9, s11;
	[dreg:$0x0] =	wrdreg $0x0  }
0xb1: {  	s11 =	sshll.u32 s28, $0x1;
	[dreg:$0x2] =	wrdreg s9  }
0xb2: {  	[dreg:$0x3] =	wrdreg s11  }
0xb3: {  	[dreg:$0x4] =	wrdreg $0xC0  }
0xb4: {  	_ =	task [dreg:s13], $0x5FFFF  }
0xb5: {  	[dreg:$0x1] =	wrdreg $0xFFFFFFFF  }
0xb6: {  	[dreg:$0x0] =	wrdreg $0x60  }
0xb7: {  	[dreg:$0x2] =	wrdreg s15  }
0xb8: {  	[dreg:$0x3] =	wrdreg s4  }
0xb9: {  	[dreg:$0x4] =	wrdreg s5  }
0xba: {  	[dreg:$0x5] =	wrdreg s24  }
0xbb: {  	[dreg:$0x6] =	wrdreg s16  }
0xbc: {  	[dreg:$0x7] =	wrdreg s17  }
0xbd: {  	[dreg:$0x8] =	wrdreg s8  }
0xbe: {  	[dreg:$0x9] =	wrdreg s18  }
0xbf: {  	[dreg:$0xa] =	wrdreg $0x9  }
0xc0: {  	_ =	task.clear_ibuf [dreg:s13], $0xBFFFF;
	_ =	strace $0x90000046  }
0xc1: {  	s29 =	simm.s32 $0x9;
	_ =	strace $0x80000048  }
0xc2: {  	_ =	swait.ge [sflag:s29], $0x1  }
0xc3: {  	[sflag:s29] =	ssyncadd.s32 $0xFFFFFFFF  }
0xc4: {  	_ =	strace $0x90000048  }
0xc5: {  	_ =	sfence  }
0xc6: {  	s30 =	sld [smem:$0x0];
	_ =	sdelay $0x2  }
0xc7: {  	s31 =	sshll.u32 s1, $0xD;
	s1 =	sshrl.u32 s1, $0x2  }
0xc8: {  	s3 =	sand.u32 $0x4000, s31;
	s1 =	sadd.s32 s1, s30  }
0xc9: {  	s0 =	sor.u32 s3, s0;
	s1 =	sshll.u32 s1, $0x11  }
0xca: {  	s0 =	sor.u32 s1, s0  }
0xcb: {  	s0 =	sadd.s32 $0x8F2B, s0  }
0xcc: {  	[sflag:s0] =	ssyncadd.remote.s32 $0x1  }
0xcd: {  	_ =	sfence.sel $0xFFFF  }
0xce: {  	[dreg:$0x0] =	wrdreg $0xFFFFFFFF;
	(pc) =	sbr.abs _section_cstart, $3  }
0xcf: {  	[dreg:$0x1] =	wrdreg $0xFFFFFFFF  }
0xd0: {  	_ =	task.clear_ibuf [dreg:s13], $0x2FFFF;
	_ =	strace $0x9FFFFFFF  }
0xd1: {  	(tm) =	ssettm $0x7FFFFFFF  }
tec
execute0_lowered:
.L_overlay_start_1:
0x0: {  	(tag) =	ssettag $0x1  }
0x1: {  	s0 =	rddreg [dreg:$0x0]  }
0x2: {  	s1 =	rddreg [dreg:$0x3]  }
0x3: {  	s4 =	rddreg [dreg:$0x4]  }
0x4: {  	s2 =	rddreg [dreg:$0x5]  }
0x5: {  	s3 =	rddreg [dreg:$0x6];
	s5 =	srdreg.scid  }
0x6: {  	s10 =	stileid.u32;
	s7 =	simm.s32 $0x0;
	s28 =	simm.s32 $0xD  }
0x7: {  	s29 =	simm.s32 $0x14800;
	s30 =	simm.s32 $0x4000;
	s6 =	sadd.s32 s5, s10  }
0x8: {  	s5 =	sand.u32 $0x1, s5;
	s9 =	smul.u32 $0x500, s10;
	s6 =	sand.u32 $0x1, s6  }
0x9: {  	[smem:$0x7FF] =	sst s7;
	s5 =	ssub.s32 $0x2, s5;
	s8 =	smul.u32 $0x280, s6  }
0xa: {  	s1 =	sadd.s32 $0x600, s1;
	_ =	strace $0x80000047;
	s19 =	sshrl.u32 s5, $0x1  }
0xb: {  	[dreg:$0xa] =	wrdreg s1;
	s1 =	ssub.s32 s5, s19;
	s21 =	sadd.s32 s9, s8  }
0xc: {  	s11 =	sadd.s32 $0x100, s0;
	s1 =	smax.u32 s1, $0x1;
	[dreg:$0xb] =	wrdreg s21  }
0xd: {  	s12 =	sadd.s32 $0x200, s0;
	s9 =	sshrl.u32 s21, $0x3;
	[dreg:$0x10] =	wrdreg s1  }
0xe: {  	s13 =	sadd.s32 $0x300, s0;
	s2 =	sadd.s32 s2, s9;
	[dreg:$0xc] =	wrdreg s9  }
0xf: {  	s23 =	sshll.u32 s21, $0x8;
	s22 =	sadd.s32 s3, s9;
	[dreg:$0xd] =	wrdreg s2  }
0x10: {  	s14 =	sadd.s32 $0x400, s0;
	s25 =	sadd.s32 s23, s4;
	[dreg:$0xe] =	wrdreg s22  }
0x11: {  	s20 =	sor.u32 s10, s6;
	s24 =	sshll.u32 s9, $0xB;
	[dreg:$0x11] =	wrdreg s25  }
0x12: {  	s15 =	sadd.s32 $0x500, s0;
	p0 =	sne.s32 s20, $0x0;
	[dreg:$0xf] =	wrdreg s24  }
.Ltmp0:
0x13: {  	s26 =	sadd.s32 s24, s4;
	s2 =	simm.s32 @!p0 $0x0;
	(pc) =	sbr.rel .LBB2_1-.Ltmp0, $4  }
0x14: {  	s17 =	sadd.s32 $0x600, s0;
	s2 =	simm.s32 @p0 $0x1;
	[dreg:$0x12] =	wrdreg s26  }
0x15: {  	v0 =	vlaneseq.u32;
	s18 =	sadd.s32 $0x700, s0;
	s31 =	sadd.s32 $0x1800, s26;
	[smem:$0x7FD] =	sst s2  }
0x16: {  	v2 =	vimm.s32 $0x0;
	vm0 =	vmmov $0xffff;
	v4 =	vshrl.u32 v0, $0x3;
	s6 =	simm.s32 $0xA;
	s1 =	sadd.s32 $0x1000, s26;
	[dreg:$0x13] =	wrdreg s31  }
0x17: {  	v1 =	vmov s10;
	v3 =	vand.u32 $0x7, v0;
	v4 =	vmul.u32 $0x8, v4;
	s23 =	simm.s32 $0x0;
	[dreg:$0x14] =	wrdreg s1;
	s1 =	simm.s32 $0x9  }
.LBB2_25:
0x18: {  	s2 =	simm.s32 @!p1 $0xB  }
0x19: {  	_ =	swait.ge @!p1 [sflag:s2], $0x800  }
0x1a: {  	[sflag:s2] =	ssyncset.done @!p1 $0x0  }
0x1b: {  	[sflag:s2] =	ssyncadd.s32 @!p1 $0xFFFFF800  }
0x1c: {  	_ =	swait.ge @!p1 [sflag:s2], $0x800  }
0x1d: {  	[sflag:s2] =	ssyncset.done @!p1 $0x0  }
0x1e: {  	[sflag:s2] =	ssyncadd.s32 @!p1 $0xFFFFF800  }
0x1f: {  	_ =	swait.ge @!p1 [sflag:s2], $0x800  }
0x20: {  	[sflag:s2] =	ssyncset.done @!p1 $0x0  }
0x21: {  	[sflag:s2] =	ssyncadd.s32 @!p1 $0xFFFFF800  }
0x22: {  	_ =	swait.ge @!p1 [sflag:s2], $0x800  }
0x23: {  	[sflag:s2] =	ssyncset.done @!p1 $0x0  }
0x24: {  	[sflag:s2] =	ssyncadd.s32 @!p1 $0xFFFFF800  }
0x25: {  	_ =	swait.ge @!p1 [sflag:s2], $0x800  }
0x26: {  	[sflag:s2] =	ssyncset.done @!p1 $0x0  }
0x27: {  	[sflag:s2] =	ssyncadd.s32 @!p1 $0xFFFFF800  }
0x28: {  	_ =	swait.ge @!p1 [sflag:s2], $0x800  }
0x29: {  	[sflag:s2] =	ssyncset.done @!p1 $0x0  }
0x2a: {  	[sflag:s2] =	ssyncadd.s32 @!p1 $0xFFFFF800  }
0x2b: {  	_ =	swait.ge @!p1 [sflag:s2], $0x800  }
0x2c: {  	[sflag:s2] =	ssyncset.done @!p1 $0x0  }
0x2d: {  	[sflag:s2] =	ssyncadd.s32 @!p1 $0xFFFFF800  }
0x2e: {  	_ =	swait.ge @!p1 [sflag:s2], $0x800  }
0x2f: {  	s23 =	sadd.s32 $0x1, s23;
	s3 =	rddreg [dreg:$0x10]  }
0x30: {  	p0 =	sne.s32 s23, s3  }
.Ltmp1:
0x31: {  	_ = 	snop;
	(pc) =	sbr.rel @!p0 .LBB2_26-.Ltmp1, $3  }
0x32: {  	_ =	sdelay $0x1  }
0x33: {  	[sflag:s2] =	ssyncset.done @!p1 $0x0  }
0x34: {  	[sflag:s2] =	ssyncadd.s32 @!p1 $0xFFFFF800  }
.LBB2_1:
0x35: {  	[smem:$0x0] =	sst s7  }
0x36: {  	[bflag:$0x0] =	sbarrier.arrive $0xFFFF  }
0x37: {  	s2 =	rddreg [dreg:$0x1]  }
0x38: {  	[tilespmem:s7], [sflag:$0xD] =	stream.linear.gather [hbm4b:s2+s7], $0x4000, $0x38;
	[tilespmem:$0x18D80] =	vst v63  }
0x39: {  	_ =	swait.ge [sflag:s28], $0x4000  }
0x3a: {  	[sflag:s28] =	ssyncset.done $0x0  }
0x3b: {  	s31 =	rddreg [dreg:$0xa];
	[sflag:s28] =	ssyncadd.s32 $0xFFFFC000  }
0x3c: {  	[tilespmem:s29], [sflag:$0xD] =	stream.linear.gather [hbm4b:s31+s7], $0x4000, $0x38;
	[tilespmem:$0x18D80] =	vst v63  }
0x3d: {  	_ =	swait.ge [sflag:s28], $0x4000  }
0x3e: {  	[sflag:s28] =	ssyncset.done $0x0  }
0x3f: {  	s5 =	simm.s32 $0x10;
	s9 =	simm.s32 $0x0;
	v5 =	vimm.s32 $0x0;
	[sflag:s28] =	ssyncadd.s32 $0xFFFFC000  }
.LBB2_2:
0x40: {  	v6 =	vld [tilespmem:s5+$0xFFFFFFF0];
	_ =	sdelay $0x4  }
0x41: {  	vm1 =	veq.s32 v6, v1  }
0x42: {  	v6 =	vsel vm1, $0x1, v2  }
0x43: {  	(xrf0) =	vadd.scan.msk.s32 $0xffff, v6;
	_ =	sdelay $0x5  }
0x44: {  	v6, _, _ =	vpop (xrf0)  }
0x45: {  	v6 =	vadd.s32 v6, v5  }
0x46: {  	v6 =	vadd.s32 $0xFFFFFFFF, v6  }
0x47: {  	vm2 =	vlt.s32 v6, $0x500  }
0x48: {  	v6 =	vnsel vm2, $0x500, v6  }
0x49: {  	v6 =	vnsel vm1, $0x500, v6;
	_ =	sdelay $0x3  }
0x4a: {  	v7 =	vor.u32 s9, v0  }
0x4b: {  	[tilespmem:v6+s30+$0x0] =	vst.idx.msk $0xffff, v7  }
0x4c: {  	v6 =	vld [tilespmem:s5+$0x0];
	_ =	sdelay $0x4  }
0x4d: {  	vm2 =	veq.s32 v6, v1  }
0x4e: {  	v6 =	vsel vm2, $0x1, v2  }
0x4f: {  	(xrf0) =	vadd.scan.msk.s32 $0xffff, v6;
	_ =	sdelay $0x1  }
0x50: {  	v6 =	vmpcnt.ones.xlane vm1;
	_ =	sdelay $0x3  }
0x51: {  	v5 =	vadd.s32 v5, v6;
	v6, _, _ =	vpop (xrf0)  }
0x52: {  	v6 =	vadd.s32 v6, v5  }
0x53: {  	v6 =	vadd.s32 $0xFFFFFFFF, v6  }
0x54: {  	vm1 =	vlt.s32 v6, $0x500  }
0x55: {  	v6 =	vnsel vm1, $0x500, v6  }
0x56: {  	p1 =	sne.s32 s9, $0x3FE0;
	v6 =	vnsel vm2, $0x500, v6  }
.Ltmp2:
0x57: {  	_ = 	snop;
	(pc) =	sbr.rel @p1 .LBB2_2-.Ltmp2, $4  }
0x58: {  	_ = 	snop  }
0x59: {  	s2 =	sadd.s32 $0x10, s9;
	v7 =	vmpcnt.ones.xlane vm2  }
0x5a: {  	v8 =	vor.u32 s2, v0  }
0x5b: {  	s9 =	sadd.s32 $0x20, s9;
	s5 =	sadd.s32 $0x20, s5;
	v5 =	vadd.s32 v5, v7;
	[tilespmem:v6+s30+$0x0] =	vst.idx.msk $0xffff, v8  }
0x5c: {  	v5 =	vxor.u32 $0x80000000, v5  }
0x5d: {  	(xrf0) =	vmax.scan.msk.u32 $0xffff, v5;
	_ =	sdelay $0x5  }
0x5e: {  	v5, _, _ =	vpop (xrf0)  }
0x5f: {  	(v2sf) =	vpush v5, $0xF;
	_ =	sdelay $0xe  }
0x60: {  	s2 =	spop (v2sf)  }
0x61: {  	s2 =	sxor.u32 $0x80000000, s2  }
0x62: {  	s3 =	simm.s32 $0xC;
	p1 =	slt.s32 s2, $0x500  }
0x63: {  	[sflag:s3] =	ssyncset.done $0x0;
	s2 =	simm.s32 @!p1 $0x500  }
0x64: {  	[smem:s7], [sflag:$0xC] =	smem.add.s32 s2  }
0x65: {  	_ =	swait.done [sflag:s3]  }
0x66: {  	[sflag:s3] =	ssyncset.s32 $0x0  }
0x67: {  	[sflag:s3] =	ssyncset.done $0x0  }
0x68: {  	[bflag:$0x0] =	sbarrier.arrive $0xFFFF  }
0x69: {  	s24 =	sld [smem:$0x7FD];
	_ =	sdelay $0x2  }
0x6a: {  	p0 =	seq.s32 s24, $0x1  }
0x6b: {  	s5 =	sld @!p0 [smem:$0x0];
	_ =	sdelay $0x2  }
0x6c: {  	s5 =	ssub.s32 @!p0 $0x4000, s5  }
0x6d: {  	v5 =	vmov @!p0 s5  }
0x6e: {  	s3 =	rddreg [dreg:$0x7];
	s9 =	simm.s32 @!p0 $0x18D00;
	s5 =	simm.s32 @!p0 $0x0;
	[tilespmem:$0x18D00] =	vst @!p0 v5  }
0x6f: {  	[hbm4b:s3+s5] =	stream.linear.scatter @!p0 [tilespmem:s9], [sflag:$0xD], $0x80, $0x38;
	[tilespmem:$0x18D80] =	vst v63  }
0x70: {  	s5 =	simm.s32 @!p0 $0xD  }
0x71: {  	s10 =	simm.s32 $0x0;
	s25 =	sadd.s32 $0x0, s8;
	_ =	swait.ge @!p0 [sflag:s5], $0x80  }
0x72: {  	s16 =	sand.u32 $0x780, s25;
	s19 =	sand.u32 $0x70, s10;
	[sflag:s5] =	ssyncset.done @!p0 $0x0  }
0x73: {  	s26 =	sor.u32 s19, s16;
	s9 =	ssub.s32 s2, s8;
	[sflag:s5] =	ssyncadd.s32 @!p0 $0xFFFFFF80  }
0x74: {  	p1 =	sgt.s32 s9, $0x0;
	s5 =	smov.u32 s9;
	v6 =	vld [tilespmem:s26+$0x4000]  }
0x75: {  	s5 =	simm.s32 @!p1 $0x0  }
0x76: {  	s5 =	smin.u32 s5, $0x280  }
0x77: {  	v7 =	vor.u32 s10, v0;
	v5 =	vmov s5  }
0x78: {  	s31 =	sadd.s32 $0x10, s8;
	vm1 =	vlt.u32 v7, v5  }
0x79: {  	s20 =	simm.s32 $0x20;
	s19 =	simm.s32 $0x4580;
	s16 =	simm.s32 $0x10;
	v7 =	vnsel vm1, $0x0, v6  }
0x7a: {  	s10 =	simm.s32 $0x18A80;
	s21 =	sand.u32 $0x780, s31;
	s22 =	sand.u32 $0x70, s16;
	v6 =	vnsel vm1, $0xFFFFFFFF, v6;
	[tilespmem:s19+$0x0] =	vst v7  }
.LBB2_4:
0x7b: {  	p1 =	sne.s32 s20, $0x270;
	s2 =	sor.u32 s22, s21;
	[tilespmem:s10+$0x0] =	vst v6  }
0x7c: {  	v6 =	vld [tilespmem:s2+$0x4000];
	_ =	sdelay $0x1  }
.Ltmp3:
0x7d: {  	(pc) =	sbr.rel @p1 .LBB2_4-.Ltmp3, $4  }
0x7e: {  	v7 =	vor.u32 s16, v0;
	s16 =	smov.u32 s20  }
0x7f: {  	vm1 =	vlt.u32 v7, v5  }
0x80: {  	s19 =	sadd.s32 $0x10, s19;
	s10 =	sadd.s32 $0x10, s10;
	s2 =	sadd.s32 s20, s8;
	v7 =	vnsel vm1, $0x0, v6;
	v6 =	vnsel vm1, $0xFFFFFFFF, v6  }
0x81: {  	s22 =	sand.u32 $0x70, s16;
	s20 =	sadd.s32 $0x10, s20;
	s21 =	sand.u32 $0x780, s2;
	[tilespmem:s19+$0x0] =	vst v7  }
0x82: {  	s2 =	sor.u32 s22, s21;
	[tilespmem:s10+$0x0] =	vst v6  }
0x83: {  	v6 =	vld [tilespmem:s2+$0x4000]  }
0x84: {  	s25 =	sand.u32 $0x7, s5  }
0x85: {  	p1 =	slt.s32 s9, $0x1;
	p2 =	sne.s32 s25, $0x0  }
0x86: {  	v7 =	vor.u32 s16, v0;
	p1 =	por !p1, !p2  }
0x87: {  	vm1 =	vlt.u32 v7, v5;
	s2 =	simm.s32 $0x1;
	p5 =	por !p1, !p1  }
0x88: {  	s26 =	sadd.s32 $0x10, s19;
	s25 =	sshrl.u32 s5, $0x3;
	s2 =	simm.s32 @!p5 $0x0;
	v7 =	vnsel vm1, $0x0, v6  }
0x89: {  	s31 =	sadd.s32 $0x10, s10;
	v6 =	vnsel vm1, $0xFFFFFFFF, v6;
	[tilespmem:s26+$0x0] =	vst v7;
	s26 =	ssub.s32 s25, s2  }
0x8a: {  	[tilespmem:s31+$0x0] =	vst v6;
	p1 =	slt.s32 s26, $0x1  }
0x8b: {  	v6 =	vld.msk @!p1 [tilespmem:$0x4580], $0xff;
	_ =	sdelay $0x4  }
0x8c: {  	v7 =	vshll.u32 @!p1 v6, $0x4  }
0x8d: {  	v8 =	vlaneseq.u32 @!p1;
	v6 =	vand.u32 @!p1 $0x7, v6;
	v7 =	vand.u32 @!p1 $0xFFFFFF80, v7  }
0x8e: {  	v6 =	vor.u32 @!p1 v6, v7;
	v7 =	vand.u32 @!p1 $0x7, v8;
	v8 =	vshrl.u32 @!p1 v8, $0x3  }
0x8f: {  	v6 =	vperm.xlane @!p1 v6, v7;
	v7 =	vmul.u32 @!p1 $0x8, v8;
	_ =	sdelay $0x1  }
0x90: {  	v6 =	vadd.s32 @!p1 v7, v6;
	_ =	sdelay $0x3  }
0x91: {  	vm1 =	vmmov @!p1 $0xffff;
	s2 =	simm.s32 @!p1 $0x0;
	s9 =	simm.s32 @!p1 $0x4800  }
0x92: {  	[tilespmem:s9], [sflag:$0x1] =	stream.indirect_vreg.gather @!p1 [hbm4b:s0+s2], $0x80, v6, vm1, $0xb8;
	[tilespmem:$0x18D80] =	vst v63  }
0x93: {  	s9 =	simm.s32 @!p1 $0x5000  }
0x94: {  	[tilespmem:s9], [sflag:$0x1] =	stream.indirect_vreg.gather @!p1 [hbm4b:s11+s2], $0x80, v6, vm1, $0xb8;
	[tilespmem:$0x18D80] =	vst v63  }
0x95: {  	s9 =	simm.s32 @!p1 $0x5800  }
0x96: {  	[tilespmem:s9], [sflag:$0x1] =	stream.indirect_vreg.gather @!p1 [hbm4b:s12+s2], $0x80, v6, vm1, $0xb8;
	[tilespmem:$0x18D80] =	vst v63  }
0x97: {  	s9 =	simm.s32 @!p1 $0x6000  }
0x98: {  	[tilespmem:s9], [sflag:$0x1] =	stream.indirect_vreg.gather @!p1 [hbm4b:s13+s2], $0x80, v6, vm1, $0xb8;
	[tilespmem:$0x18D80] =	vst v63  }
0x99: {  	s9 =	simm.s32 @!p1 $0x6800  }
0x9a: {  	[tilespmem:s9], [sflag:$0x1] =	stream.indirect_vreg.gather @!p1 [hbm4b:s14+s2], $0x80, v6, vm1, $0xb8;
	[tilespmem:$0x18D80] =	vst v63  }
0x9b: {  	s9 =	simm.s32 @!p1 $0x7000  }
0x9c: {  	[tilespmem:s9], [sflag:$0x1] =	stream.indirect_vreg.gather @!p1 [hbm4b:s15+s2], $0x80, v6, vm1, $0xb8;
	[tilespmem:$0x18D80] =	vst v63  }
0x9d: {  	p2 =	seq.s32 @!p1 s26, $0x1;
	s9 =	simm.s32 @!p1 $0x7800  }
0x9e: {  	[tilespmem:s9], [sflag:$0x1] =	stream.indirect_vreg.gather @!p1 [hbm4b:s17+s2], $0x80, v6, vm1, $0xb8;
	[tilespmem:$0x18D80] =	vst v63  }
0x9f: {  	p6 =	por p1, p2;
	s9 =	simm.s32 @!p1 $0x8000  }
0xa0: {  	[tilespmem:s9], [sflag:$0x1] =	stream.indirect_vreg.gather @!p1 [hbm4b:s18+s2], $0x80, v6, vm1, $0xb8;
	[tilespmem:$0x18D80] =	vst v63  }
0xa1: {  	v6 =	vld.msk @!p6 [tilespmem:$0x4588], $0xff;
	_ =	sdelay $0x4  }
0xa2: {  	v7 =	vshll.u32 @!p6 v6, $0x4  }
0xa3: {  	v8 =	vlaneseq.u32 @!p6;
	v6 =	vand.u32 @!p6 $0x7, v6;
	v7 =	vand.u32 @!p6 $0xFFFFFF80, v7  }
0xa4: {  	v6 =	vor.u32 @!p6 v6, v7;
	v7 =	vand.u32 @!p6 $0x7, v8;
	v8 =	vshrl.u32 @!p6 v8, $0x3  }
0xa5: {  	v6 =	vperm.xlane @!p6 v6, v7;
	v7 =	vmul.u32 @!p6 $0x8, v8;
	_ =	sdelay $0x1  }
0xa6: {  	v6 =	vadd.s32 @!p6 v7, v6;
	_ =	sdelay $0x3  }
0xa7: {  	vm1 =	vmmov @!p6 $0xffff;
	s2 =	simm.s32 @!p6 $0x0;
	s9 =	simm.s32 @!p6 $0x8800  }
0xa8: {  	[tilespmem:s9], [sflag:$0x2] =	stream.indirect_vreg.gather @!p6 [hbm4b:s0+s2], $0x80, v6, vm1, $0xb8;
	[tilespmem:$0x18D80] =	vst v63  }
0xa9: {  	s9 =	simm.s32 @!p6 $0x9000  }
0xaa: {  	[tilespmem:s9], [sflag:$0x2] =	stream.indirect_vreg.gather @!p6 [hbm4b:s11+s2], $0x80, v6, vm1, $0xb8;
	[tilespmem:$0x18D80] =	vst v63  }
0xab: {  	s9 =	simm.s32 @!p6 $0x9800  }
0xac: {  	[tilespmem:s9], [sflag:$0x2] =	stream.indirect_vreg.gather @!p6 [hbm4b:s12+s2], $0x80, v6, vm1, $0xb8;
	[tilespmem:$0x18D80] =	vst v63  }
0xad: {  	s9 =	simm.s32 @!p6 $0xA000  }
0xae: {  	[tilespmem:s9], [sflag:$0x2] =	stream.indirect_vreg.gather @!p6 [hbm4b:s13+s2], $0x80, v6, vm1, $0xb8;
	[tilespmem:$0x18D80] =	vst v63  }
0xaf: {  	p2 =	slt.u32 @!p6 s26, $0x3;
	s9 =	simm.s32 @!p6 $0xA800  }
0xb0: {  	[tilespmem:s9], [sflag:$0x2] =	stream.indirect_vreg.gather @!p6 [hbm4b:s14+s2], $0x80, v6, vm1, $0xb8;
	[tilespmem:$0x18D80] =	vst v63  }
0xb1: {  	p2 =	por p6, p2;
	s9 =	simm.s32 @!p6 $0xB000  }
0xb2: {  	[tilespmem:s9], [sflag:$0x2] =	stream.indirect_vreg.gather @!p6 [hbm4b:s15+s2], $0x80, v6, vm1, $0xb8;
	[tilespmem:$0x18D80] =	vst v63  }
.Ltmp4:
0xb3: {  	_ = 	snop;
	(pc) =	sbr.rel @p2 .LBB2_6-.Ltmp4, $4  }
0xb4: {  	s9 =	simm.s32 @!p6 $0xB800  }
0xb5: {  	[tilespmem:s9], [sflag:$0x2] =	stream.indirect_vreg.gather @!p6 [hbm4b:s17+s2], $0x80, v6, vm1, $0xb8;
	[tilespmem:$0x18D80] =	vst v63  }
0xb6: {  	s9 =	simm.s32 @!p6 $0xC000  }
0xb7: {  	[tilespmem:s9], [sflag:$0x2] =	stream.indirect_vreg.gather @!p6 [hbm4b:s18+s2], $0x80, v6, vm1, $0xb8;
	[tilespmem:$0x18D80] =	vst v63  }
0xb8: {  	v6 =	vld.msk [tilespmem:$0x4590], $0xff;
	_ =	sdelay $0x4  }
0xb9: {  	v7 =	vshll.u32 v6, $0x4  }
0xba: {  	v6 =	vand.u32 $0x7, v6;
	v7 =	vand.u32 $0xFFFFFF80, v7  }
0xbb: {  	v6 =	vor.u32 v6, v7  }
0xbc: {  	v6 =	vperm.xlane v6, v3;
	_ =	sdelay $0x1  }
0xbd: {  	v6 =	vadd.s32 v4, v6;
	_ =	sdelay $0x3  }
0xbe: {  	s2 =	simm.s32 $0xC800  }
0xbf: {  	[tilespmem:s2], [sflag:$0x3] =	stream.indirect_vreg.gather [hbm4b:s0+s7], $0x80, v6, vm0, $0xb8;
	[tilespmem:$0x18D80] =	vst v63  }
0xc0: {  	s16 =	simm.s32 $0xD000  }
0xc1: {  	[tilespmem:s16], [sflag:$0x3] =	stream.indirect_vreg.gather [hbm4b:s11+s7], $0x80, v6, vm0, $0xb8;
	[tilespmem:$0x18D80] =	vst v63  }
0xc2: {  	s19 =	simm.s32 $0xD800  }
0xc3: {  	[tilespmem:s19], [sflag:$0x3] =	stream.indirect_vreg.gather [hbm4b:s12+s7], $0x80, v6, vm0, $0xb8;
	[tilespmem:$0x18D80] =	vst v63  }
0xc4: {  	s20 =	simm.s32 $0xE000  }
0xc5: {  	[tilespmem:s20], [sflag:$0x3] =	stream.indirect_vreg.gather [hbm4b:s13+s7], $0x80, v6, vm0, $0xb8;
	[tilespmem:$0x18D80] =	vst v63  }
0xc6: {  	s21 =	simm.s32 $0xE800  }
0xc7: {  	[tilespmem:s21], [sflag:$0x3] =	stream.indirect_vreg.gather [hbm4b:s14+s7], $0x80, v6, vm0, $0xb8;
	[tilespmem:$0x18D80] =	vst v63  }
0xc8: {  	s22 =	simm.s32 $0xF000  }
0xc9: {  	[tilespmem:s22], [sflag:$0x3] =	stream.indirect_vreg.gather [hbm4b:s15+s7], $0x80, v6, vm0, $0xb8;
	[tilespmem:$0x18D80] =	vst v63  }
0xca: {  	s24 =	simm.s32 $0xF800  }
0xcb: {  	[tilespmem:s24], [sflag:$0x3] =	stream.indirect_vreg.gather [hbm4b:s17+s7], $0x80, v6, vm0, $0xb8;
	[tilespmem:$0x18D80] =	vst v63  }
0xcc: {  	s31 =	simm.s32 $0x10000;
	p6 =	seq.s32 s26, $0x3  }
0xcd: {  	[tilespmem:s31], [sflag:$0x3] =	stream.indirect_vreg.gather [hbm4b:s18+s7], $0x80, v6, vm0, $0xb8;
	[tilespmem:$0x18D80] =	vst v63  }
0xce: {  	v6 =	vld.msk @!p6 [tilespmem:$0x4598], $0xff;
	_ =	sdelay $0x4  }
0xcf: {  	v7 =	vshll.u32 @!p6 v6, $0x4  }
0xd0: {  	v8 =	vlaneseq.u32 @!p6;
	v6 =	vand.u32 @!p6 $0x7, v6;
	v7 =	vand.u32 @!p6 $0xFFFFFF80, v7  }
0xd1: {  	v6 =	vor.u32 @!p6 v6, v7;
	v7 =	vand.u32 @!p6 $0x7, v8;
	v8 =	vshrl.u32 @!p6 v8, $0x3  }
0xd2: {  	v6 =	vperm.xlane @!p6 v6, v7;
	v7 =	vmul.u32 @!p6 $0x8, v8;
	_ =	sdelay $0x1  }
0xd3: {  	v6 =	vadd.s32 @!p6 v7, v6;
	_ =	sdelay $0x3  }
0xd4: {  	vm1 =	vmmov @!p6 $0xffff;
	s9 =	simm.s32 @!p6 $0x10800;
	s2 =	simm.s32 @!p6 $0x0  }
0xd5: {  	[tilespmem:s9], [sflag:$0x4] =	stream.indirect_vreg.gather @!p6 [hbm4b:s0+s2], $0x80, v6, vm1, $0xb8;
	[tilespmem:$0x18D80] =	vst v63  }
0xd6: {  	s9 =	simm.s32 @!p6 $0x11000  }
0xd7: {  	[tilespmem:s9], [sflag:$0x4] =	stream.indirect_vreg.gather @!p6 [hbm4b:s11+s2], $0x80, v6, vm1, $0xb8;
	[tilespmem:$0x18D80] =	vst v63  }
0xd8: {  	s9 =	simm.s32 @!p6 $0x11800  }
0xd9: {  	[tilespmem:s9], [sflag:$0x4] =	stream.indirect_vreg.gather @!p6 [hbm4b:s12+s2], $0x80, v6, vm1, $0xb8;
	[tilespmem:$0x18D80] =	vst v63  }
0xda: {  	s9 =	simm.s32 @!p6 $0x12000  }
0xdb: {  	[tilespmem:s9], [sflag:$0x4] =	stream.indirect_vreg.gather @!p6 [hbm4b:s13+s2], $0x80, v6, vm1, $0xb8;
	[tilespmem:$0x18D80] =	vst v63  }
0xdc: {  	s9 =	simm.s32 @!p6 $0x12800  }
0xdd: {  	[tilespmem:s9], [sflag:$0x4] =	stream.indirect_vreg.gather @!p6 [hbm4b:s14+s2], $0x80, v6, vm1, $0xb8;
	[tilespmem:$0x18D80] =	vst v63  }
0xde: {  	p3 =	por $0x0, $0x0;
	s9 =	simm.s32 @!p6 $0x13000  }
0xdf: {  	[tilespmem:s9], [sflag:$0x4] =	stream.indirect_vreg.gather @!p6 [hbm4b:s15+s2], $0x80, v6, vm1, $0xb8;
	[tilespmem:$0x18D80] =	vst v63  }
.Ltmp5:
0xe0: {  	p4 =	por $0x1, $0x1;
	p0 =	por @!p6 $0x1, $0x1;
	(pc) =	sbr.rel .LBB2_8-.Ltmp5, $4  }
0xe1: {  	p2 =	por $0x1, $0x1;
	p3 =	por @!p6 p0, p0;
	s9 =	simm.s32 @!p6 $0x13800  }
0xe2: {  	[tilespmem:s9], [sflag:$0x4] =	stream.indirect_vreg.gather @!p6 [hbm4b:s17+s2], $0x80, v6, vm1, $0xb8;
	[tilespmem:$0x18D80] =	vst v63  }
0xe3: {  	p4 =	por @!p6 p0, p0;
	p2 =	por @!p6 p0, p0;
	s9 =	simm.s32 @!p6 $0x14000  }
0xe4: {  	[tilespmem:s9], [sflag:$0x4] =	stream.indirect_vreg.gather @!p6 [hbm4b:s18+s2], $0x80, v6, vm1, $0xb8;
	[tilespmem:$0x18D80] =	vst v63  }
.LBB2_6:
0xe5: {  	p2 =	por @!p1 $0x0, $0x0;
	p3 =	por $0x0, $0x0  }
0xe6: {  	p3 =	por @!p1 p2, p2  }
0xe7: {  	p2 =	por @!p6 $0x0, $0x0;
	p0 =	por p3, p3  }
0xe8: {  	p4 =	por p3, p3;
	p0 =	por @!p6 p2, p2;
	p2 =	por @!p6 $0x1, $0x1  }
0xe9: {  	p4 =	por @!p6 p2, p2  }
0xea: {  	p2 =	por p3, p3;
	p3 =	por p0, p0;
	p0 =	por @!p6 $0x0, $0x0  }
0xeb: {  	p2 =	por @!p6 p0, p0  }
.LBB2_8:
0xec: {  	s19 =	simm.s32 $0x18800  }
0xed: {  	s2 =	rddreg [dreg:$0x2];
	s3 =	simm.s32 $0x80;
	s9 =	simm.s32 $0x4580  }
0xee: {  	[tilespmem:s19], [sflag:$0xA] =	stream.indirect.gather [hbm4b:s2+s3], $0x1, s9, s3, $0xb8;
	[tilespmem:$0x18D80] =	vst v63  }
0xef: {  	s31 =	simm.s32 $0x4600;
	s10 =	simm.s32 $0x18880  }
0xf0: {  	[tilespmem:s10], [sflag:$0xA] =	stream.indirect.gather [hbm4b:s2+s3], $0x1, s31, s3, $0xb8;
	[tilespmem:$0x18D80] =	vst v63  }
0xf1: {  	s16 =	simm.s32 $0x4680;
	s20 =	simm.s32 $0x18900  }
0xf2: {  	[tilespmem:s20], [sflag:$0xA] =	stream.indirect.gather [hbm4b:s2+s3], $0x1, s16, s3, $0xb8;
	[tilespmem:$0x18D80] =	vst v63  }
0xf3: {  	s21 =	simm.s32 $0x4700;
	s22 =	simm.s32 $0x18980  }
0xf4: {  	[tilespmem:s22], [sflag:$0xA] =	stream.indirect.gather [hbm4b:s2+s3], $0x1, s21, s3, $0xb8;
	[tilespmem:$0x18D80] =	vst v63  }
0xf5: {  	s24 =	simm.s32 $0x4780;
	s31 =	simm.s32 $0x18A00  }
0xf6: {  	[tilespmem:s31], [sflag:$0xA] =	stream.indirect.gather [hbm4b:s2+s3], $0x1, s24, s3, $0xb8;
	[tilespmem:$0x18D80] =	vst v63  }
0xf7: {  	_ =	swait.ge [sflag:s6], $0x80  }
0xf8: {  	[sflag:s6] =	ssyncset.done $0x0  }
0xf9: {  	[sflag:s6] =	ssyncadd.s32 $0xFFFFFF80  }
0xfa: {  	_ =	swait.ge [sflag:s6], $0x80  }
0xfb: {  	[sflag:s6] =	ssyncset.done $0x0  }
0xfc: {  	[sflag:s6] =	ssyncadd.s32 $0xFFFFFF80  }
0xfd: {  	_ =	swait.ge [sflag:s6], $0x80  }
0xfe: {  	[sflag:s6] =	ssyncset.done $0x0  }
0xff: {  	[sflag:s6] =	ssyncadd.s32 $0xFFFFFF80  }
0x100: {  	_ =	swait.ge [sflag:s6], $0x80  }
0x101: {  	[sflag:s6] =	ssyncset.done $0x0  }
0x102: {  	[sflag:s6] =	ssyncadd.s32 $0xFFFFFF80  }
0x103: {  	_ =	swait.ge [sflag:s6], $0x80  }
0x104: {  	s9 =	sshll.u32 s26, $0x3;
	[sflag:s6] =	ssyncset.done $0x0  }
0x105: {  	s5 =	ssub.s32 s5, s9;
	s10 =	simm.s32 $0xFFFFFFFF;
	[sflag:s6] =	ssyncadd.s32 $0xFFFFFF80  }
0x106: {  	s10 =	simm.s32 @!p5 $0x0;
	s16 =	simm.s32 $0x0;
	s20 =	simm.s32 $0x10;
	v6 =	vld [tilespmem:s19+$0x0]  }
.LBB2_9:
0x107: {  	p5 =	sne.s32 s20, $0x270;
	_ =	sdelay $0x1  }
.Ltmp6:
0x108: {  	v7 =	vor.u32 s16, v0;
	s16 =	smov.u32 s20;
	(pc) =	sbr.rel @p5 .LBB2_9-.Ltmp6, $4  }
0x109: {  	vm1 =	vlt.u32 v7, v5  }
0x10a: {  	v6 =	vnsel vm1, $0x0, v6  }
0x10b: {  	[tilespmem:s19+$0x0] =	vst v6;
	s19 =	sadd.s32 $0x10, s19  }
0x10c: {  	s20 =	sadd.s32 $0x10, s20;
	v6 =	vld [tilespmem:s19+$0x0]  }
0x10d: {  	_ =	sdelay $0x1  }
0x10e: {  	v7 =	vor.u32 s16, v0  }
0x10f: {  	vm1 =	vlt.u32 v7, v5  }
0x110: {  	v5 =	vnsel vm1, $0x0, v6  }
0x111: {  	s2 =	rddreg [dreg:$0xd];
	s3 =	simm.s32 $0x18800;
	s31 =	sadd.s32 $0x3, s26;
	[tilespmem:s19+$0x0] =	vst v5  }
0x112: {  	[hbm4b:s2+s7] =	stream.linear.scatter [tilespmem:s3], [sflag:$0xD], $0x280, $0x38;
	[tilespmem:$0x18D80] =	vst v63  }
0x113: {  	s2 =	sshrl.u32 s31, $0x2;
	_ =	swait.ge [sflag:s28], $0x280  }
0x114: {  	s24 =	simm.s32 $0x18A80;
	p0 =	seq.s32 s2, $0x0;
	[sflag:s28] =	ssyncset.done $0x0  }
.Ltmp7:
0x115: {  	s22 =	rddreg [dreg:$0xe];
	[sflag:s28] =	ssyncadd.s32 $0xFFFFFD80;
	(pc) =	sbr.rel @p0 .LBB2_13-.Ltmp7, $4  }
0x116: {  	[hbm4b:s22+s7] =	stream.linear.scatter [tilespmem:s24], [sflag:$0xD], $0x280, $0x38;
	[tilespmem:$0x18D80] =	vst v63  }
0x117: {  	_ =	swait.ge [sflag:s28], $0x280  }
0x118: {  	[sflag:s28] =	ssyncset.done $0x0  }
0x119: {  	[sflag:s28] =	ssyncadd.s32 $0xFFFFFD80  }
0x11a: {  	s22 =	rddreg [dreg:$0x14]  }
0x11b: {  	s21 =	rddreg [dreg:$0x13]  }
0x11c: {  	s2 =	sshll.u32 s2, $0x2;
	s24 =	rddreg [dreg:$0x11]  }
0x11d: {  	s19 =	simm.s32 $0x0;
	s20 =	simm.s32 $0x45B8;
	[dreg:$0x9] =	wrdreg s2  }
.LBB2_12:
0x11e: {  	p0 =	sge.s32 s19, s26  }
0x11f: {  	s2 =	simm.s32 @!p0 $0x1  }
0x120: {  	_ =	swait.ge @!p0 [sflag:s2], $0x4000  }
0x121: {  	[sflag:s2] =	ssyncset.done @!p0 $0x0  }
0x122: {  	s16 =	simm.s32 @!p0 $0x4800;
	[sflag:s2] =	ssyncadd.s32 @!p0 $0xFFFFC000;
	s2 =	simm.s32 @!p0 $0x0  }
0x123: {  	[hbm4b:s24+s2] =	stream.linear.scatter @!p0 [tilespmem:s16], [sflag:$0x5], $0x4000, $0x38;
	[tilespmem:$0x18D80] =	vst v63  }
0x124: {  	s2 =	sadd.s32 @!p0 $0x4, s19  }
0x125: {  	p5 =	sge.s32 @!p0 s2, s26  }
0x126: {  	p5 =	por p5, p0  }
0x127: {  	s2 =	simm.s32 @!p5 $0x5  }
0x128: {  	_ =	swait.ge @!p5 [sflag:s2], $0x4000  }
0x129: {  	[sflag:s2] =	ssyncset.done @!p5 $0x0  }
0x12a: {  	[sflag:s2] =	ssyncadd.s32 @!p5 $0xFFFFC000  }
0x12b: {  	v5 =	vld.msk @!p5 [tilespmem:s20+$0xFFFFFFE8], $0xff;
	_ =	sdelay $0x4  }
0x12c: {  	v6 =	vshll.u32 @!p5 v5, $0x4  }
0x12d: {  	v7 =	vlaneseq.u32 @!p5;
	v5 =	vand.u32 @!p5 $0x7, v5;
	v6 =	vand.u32 @!p5 $0xFFFFFF80, v6  }
0x12e: {  	v5 =	vor.u32 @!p5 v5, v6;
	v6 =	vand.u32 @!p5 $0x7, v7;
	v7 =	vshrl.u32 @!p5 v7, $0x3  }
0x12f: {  	v5 =	vperm.xlane @!p5 v5, v6;
	v6 =	vmul.u32 @!p5 $0x8, v7;
	_ =	sdelay $0x1  }
0x130: {  	v5 =	vadd.s32 @!p5 v6, v5;
	_ =	sdelay $0x3  }
0x131: {  	vm1 =	vmmov @!p5 $0xffff;
	s16 =	simm.s32 @!p5 $0x4800;
	s2 =	simm.s32 @!p5 $0x0  }
0x132: {  	[tilespmem:s16], [sflag:$0x1] =	stream.indirect_vreg.gather @!p5 [hbm4b:s0+s2], $0x80, v5, vm1, $0xb8;
	[tilespmem:$0x18D80] =	vst v63  }
0x133: {  	s16 =	simm.s32 @!p5 $0x5000  }
0x134: {  	[tilespmem:s16], [sflag:$0x1] =	stream.indirect_vreg.gather @!p5 [hbm4b:s11+s2], $0x80, v5, vm1, $0xb8;
	[tilespmem:$0x18D80] =	vst v63  }
0x135: {  	s16 =	simm.s32 @!p5 $0x5800  }
0x136: {  	[tilespmem:s16], [sflag:$0x1] =	stream.indirect_vreg.gather @!p5 [hbm4b:s12+s2], $0x80, v5, vm1, $0xb8;
	[tilespmem:$0x18D80] =	vst v63  }
0x137: {  	s16 =	simm.s32 @!p5 $0x6000  }
0x138: {  	[tilespmem:s16], [sflag:$0x1] =	stream.indirect_vreg.gather @!p5 [hbm4b:s13+s2], $0x80, v5, vm1, $0xb8;
	[tilespmem:$0x18D80] =	vst v63  }
0x139: {  	s16 =	simm.s32 @!p5 $0x6800  }
0x13a: {  	[tilespmem:s16], [sflag:$0x1] =	stream.indirect_vreg.gather @!p5 [hbm4b:s14+s2], $0x80, v5, vm1, $0xb8;
	[tilespmem:$0x18D80] =	vst v63  }
0x13b: {  	s16 =	simm.s32 @!p5 $0x7000  }
0x13c: {  	[tilespmem:s16], [sflag:$0x1] =	stream.indirect_vreg.gather @!p5 [hbm4b:s15+s2], $0x80, v5, vm1, $0xb8;
	[tilespmem:$0x18D80] =	vst v63  }
0x13d: {  	s3 =	sadd.s32 $0x1, s19;
	s16 =	simm.s32 @!p5 $0x7800  }
0x13e: {  	[tilespmem:s16], [sflag:$0x1] =	stream.indirect_vreg.gather @!p5 [hbm4b:s17+s2], $0x80, v5, vm1, $0xb8;
	[tilespmem:$0x18D80] =	vst v63  }
0x13f: {  	p0 =	sge.s32 s3, s26;
	s16 =	simm.s32 @!p5 $0x8000  }
0x140: {  	[tilespmem:s16], [sflag:$0x1] =	stream.indirect_vreg.gather @!p5 [hbm4b:s18+s2], $0x80, v5, vm1, $0xb8;
	[tilespmem:$0x18D80] =	vst v63  }
0x141: {  	s2 =	simm.s32 @!p0 $0x2  }
0x142: {  	_ =	swait.ge @!p0 [sflag:s2], $0x4000  }
0x143: {  	s31 =	simm.s32 @!p0 $0x8800;
	[sflag:s2] =	ssyncset.done @!p0 $0x0  }
0x144: {  	s16 =	simm.s32 @!p0 $0x0;
	[sflag:s2] =	ssyncadd.s32 @!p0 $0xFFFFC000;
	s2 =	sadd.s32 @!p0 $0xFFFFF000, s21  }
0x145: {  	[hbm4b:s2+s16] =	stream.linear.scatter @!p0 [tilespmem:s31], [sflag:$0x6], $0x4000, $0x38;
	[tilespmem:$0x18D80] =	vst v63  }
0x146: {  	s2 =	sadd.s32 @!p0 $0x5, s19  }
0x147: {  	p5 =	sge.s32 @!p0 s2, s26  }
0x148: {  	p5 =	por p5, p0  }
0x149: {  	s2 =	simm.s32 @!p5 $0x6  }
0x14a: {  	_ =	swait.ge @!p5 [sflag:s2], $0x4000  }
0x14b: {  	[sflag:s2] =	ssyncset.done @!p5 $0x0  }
0x14c: {  	[sflag:s2] =	ssyncadd.s32 @!p5 $0xFFFFC000  }
0x14d: {  	v5 =	vld.msk @!p5 [tilespmem:s20+$0xFFFFFFF0], $0xff;
	_ =	sdelay $0x4  }
0x14e: {  	v6 =	vshll.u32 @!p5 v5, $0x4  }
0x14f: {  	v7 =	vlaneseq.u32 @!p5;
	v5 =	vand.u32 @!p5 $0x7, v5;
	v6 =	vand.u32 @!p5 $0xFFFFFF80, v6  }
0x150: {  	v5 =	vor.u32 @!p5 v5, v6;
	v6 =	vand.u32 @!p5 $0x7, v7;
	v7 =	vshrl.u32 @!p5 v7, $0x3  }
0x151: {  	v5 =	vperm.xlane @!p5 v5, v6;
	v6 =	vmul.u32 @!p5 $0x8, v7;
	_ =	sdelay $0x1  }
0x152: {  	v5 =	vadd.s32 @!p5 v6, v5;
	_ =	sdelay $0x3  }
0x153: {  	vm1 =	vmmov @!p5 $0xffff;
	s16 =	simm.s32 @!p5 $0x8800;
	s2 =	simm.s32 @!p5 $0x0  }
0x154: {  	[tilespmem:s16], [sflag:$0x2] =	stream.indirect_vreg.gather @!p5 [hbm4b:s0+s2], $0x80, v5, vm1, $0xb8;
	[tilespmem:$0x18D80] =	vst v63  }
0x155: {  	s16 =	simm.s32 @!p5 $0x9000  }
0x156: {  	[tilespmem:s16], [sflag:$0x2] =	stream.indirect_vreg.gather @!p5 [hbm4b:s11+s2], $0x80, v5, vm1, $0xb8;
	[tilespmem:$0x18D80] =	vst v63  }
0x157: {  	s16 =	simm.s32 @!p5 $0x9800  }
0x158: {  	[tilespmem:s16], [sflag:$0x2] =	stream.indirect_vreg.gather @!p5 [hbm4b:s12+s2], $0x80, v5, vm1, $0xb8;
	[tilespmem:$0x18D80] =	vst v63  }
0x159: {  	s16 =	simm.s32 @!p5 $0xA000  }
0x15a: {  	[tilespmem:s16], [sflag:$0x2] =	stream.indirect_vreg.gather @!p5 [hbm4b:s13+s2], $0x80, v5, vm1, $0xb8;
	[tilespmem:$0x18D80] =	vst v63  }
0x15b: {  	s16 =	simm.s32 @!p5 $0xA800  }
0x15c: {  	[tilespmem:s16], [sflag:$0x2] =	stream.indirect_vreg.gather @!p5 [hbm4b:s14+s2], $0x80, v5, vm1, $0xb8;
	[tilespmem:$0x18D80] =	vst v63  }
0x15d: {  	s16 =	simm.s32 @!p5 $0xB000  }
0x15e: {  	[tilespmem:s16], [sflag:$0x2] =	stream.indirect_vreg.gather @!p5 [hbm4b:s15+s2], $0x80, v5, vm1, $0xb8;
	[tilespmem:$0x18D80] =	vst v63  }
0x15f: {  	s16 =	simm.s32 @!p5 $0xB800  }
0x160: {  	[tilespmem:s16], [sflag:$0x2] =	stream.indirect_vreg.gather @!p5 [hbm4b:s17+s2], $0x80, v5, vm1, $0xb8;
	[tilespmem:$0x18D80] =	vst v63  }
0x161: {  	s16 =	simm.s32 @!p5 $0xC000  }
0x162: {  	[tilespmem:s16], [sflag:$0x2] =	stream.indirect_vreg.gather @!p5 [hbm4b:s18+s2], $0x80, v5, vm1, $0xb8;
	[tilespmem:$0x18D80] =	vst v63  }
0x163: {  	s16 =	sadd.s32 $0x2, s19  }
0x164: {  	p0 =	sge.s32 s16, s26  }
0x165: {  	s2 =	simm.s32 @!p0 $0x3  }
0x166: {  	_ =	swait.ge @!p0 [sflag:s2], $0x4000  }
0x167: {  	[sflag:s2] =	ssyncset.done @!p0 $0x0  }
0x168: {  	s16 =	simm.s32 @!p0 $0xC800;
	[sflag:s2] =	ssyncadd.s32 @!p0 $0xFFFFC000;
	s2 =	simm.s32 @!p0 $0x0  }
0x169: {  	[hbm4b:s22+s2] =	stream.linear.scatter @!p0 [tilespmem:s16], [sflag:$0x7], $0x4000, $0x38;
	[tilespmem:$0x18D80] =	vst v63  }
0x16a: {  	s2 =	sadd.s32 @!p0 $0x6, s19  }
0x16b: {  	p5 =	sge.s32 @!p0 s2, s26  }
0x16c: {  	p5 =	por p5, p0  }
0x16d: {  	s2 =	simm.s32 @!p5 $0x7  }
0x16e: {  	_ =	swait.ge @!p5 [sflag:s2], $0x4000  }
0x16f: {  	[sflag:s2] =	ssyncset.done @!p5 $0x0  }
0x170: {  	[sflag:s2] =	ssyncadd.s32 @!p5 $0xFFFFC000  }
0x171: {  	v5 =	vld.msk @!p5 [tilespmem:s20+$0xFFFFFFF8], $0xff;
	_ =	sdelay $0x4  }
0x172: {  	v6 =	vshll.u32 @!p5 v5, $0x4  }
0x173: {  	v7 =	vlaneseq.u32 @!p5;
	v5 =	vand.u32 @!p5 $0x7, v5;
	v6 =	vand.u32 @!p5 $0xFFFFFF80, v6  }
0x174: {  	v5 =	vor.u32 @!p5 v5, v6;
	v6 =	vand.u32 @!p5 $0x7, v7;
	v7 =	vshrl.u32 @!p5 v7, $0x3  }
0x175: {  	v5 =	vperm.xlane @!p5 v5, v6;
	v6 =	vmul.u32 @!p5 $0x8, v7;
	_ =	sdelay $0x1  }
0x176: {  	v5 =	vadd.s32 @!p5 v6, v5;
	_ =	sdelay $0x3  }
0x177: {  	vm1 =	vmmov @!p5 $0xffff;
	s16 =	simm.s32 @!p5 $0xC800;
	s2 =	simm.s32 @!p5 $0x0  }
0x178: {  	[tilespmem:s16], [sflag:$0x3] =	stream.indirect_vreg.gather @!p5 [hbm4b:s0+s2], $0x80, v5, vm1, $0xb8;
	[tilespmem:$0x18D80] =	vst v63  }
0x179: {  	s16 =	simm.s32 @!p5 $0xD000  }
0x17a: {  	[tilespmem:s16], [sflag:$0x3] =	stream.indirect_vreg.gather @!p5 [hbm4b:s11+s2], $0x80, v5, vm1, $0xb8;
	[tilespmem:$0x18D80] =	vst v63  }
0x17b: {  	s16 =	simm.s32 @!p5 $0xD800  }
0x17c: {  	[tilespmem:s16], [sflag:$0x3] =	stream.indirect_vreg.gather @!p5 [hbm4b:s12+s2], $0x80, v5, vm1, $0xb8;
	[tilespmem:$0x18D80] =	vst v63  }
0x17d: {  	s16 =	simm.s32 @!p5 $0xE000  }
0x17e: {  	[tilespmem:s16], [sflag:$0x3] =	stream.indirect_vreg.gather @!p5 [hbm4b:s13+s2], $0x80, v5, vm1, $0xb8;
	[tilespmem:$0x18D80] =	vst v63  }
0x17f: {  	s16 =	simm.s32 @!p5 $0xE800  }
0x180: {  	[tilespmem:s16], [sflag:$0x3] =	stream.indirect_vreg.gather @!p5 [hbm4b:s14+s2], $0x80, v5, vm1, $0xb8;
	[tilespmem:$0x18D80] =	vst v63  }
0x181: {  	s16 =	simm.s32 @!p5 $0xF000  }
0x182: {  	[tilespmem:s16], [sflag:$0x3] =	stream.indirect_vreg.gather @!p5 [hbm4b:s15+s2], $0x80, v5, vm1, $0xb8;
	[tilespmem:$0x18D80] =	vst v63  }
0x183: {  	s31 =	sadd.s32 $0x3, s19;
	s16 =	simm.s32 @!p5 $0xF800  }
0x184: {  	[tilespmem:s16], [sflag:$0x3] =	stream.indirect_vreg.gather @!p5 [hbm4b:s17+s2], $0x80, v5, vm1, $0xb8;
	[tilespmem:$0x18D80] =	vst v63  }
0x185: {  	p0 =	sge.s32 s31, s26;
	s16 =	simm.s32 @!p5 $0x10000  }
0x186: {  	[tilespmem:s16], [sflag:$0x3] =	stream.indirect_vreg.gather @!p5 [hbm4b:s18+s2], $0x80, v5, vm1, $0xb8;
	[tilespmem:$0x18D80] =	vst v63  }
0x187: {  	s2 =	simm.s32 @!p0 $0x4  }
0x188: {  	_ =	swait.ge @!p0 [sflag:s2], $0x4000  }
0x189: {  	[sflag:s2] =	ssyncset.done @!p0 $0x0  }
0x18a: {  	s16 =	simm.s32 @!p0 $0x10800;
	[sflag:s2] =	ssyncadd.s32 @!p0 $0xFFFFC000;
	s2 =	simm.s32 @!p0 $0x0  }
0x18b: {  	[hbm4b:s21+s2] =	stream.linear.scatter @!p0 [tilespmem:s16], [sflag:$0x8], $0x4000, $0x38;
	[tilespmem:$0x18D80] =	vst v63  }
0x18c: {  	s2 =	sadd.s32 @!p0 $0x7, s19  }
0x18d: {  	p5 =	sge.s32 @!p0 s2, s26  }
0x18e: {  	p5 =	por p5, p0  }
0x18f: {  	s2 =	simm.s32 @!p5 $0x8  }
0x190: {  	_ =	swait.ge @!p5 [sflag:s2], $0x4000  }
0x191: {  	[sflag:s2] =	ssyncset.done @!p5 $0x0  }
0x192: {  	[sflag:s2] =	ssyncadd.s32 @!p5 $0xFFFFC000  }
0x193: {  	v5 =	vld.msk @!p5 [tilespmem:s20+$0x0], $0xff;
	_ =	sdelay $0x4  }
0x194: {  	v6 =	vshll.u32 @!p5 v5, $0x4  }
0x195: {  	v7 =	vlaneseq.u32 @!p5;
	v5 =	vand.u32 @!p5 $0x7, v5;
	v6 =	vand.u32 @!p5 $0xFFFFFF80, v6  }
0x196: {  	v5 =	vor.u32 @!p5 v5, v6;
	v6 =	vand.u32 @!p5 $0x7, v7;
	v7 =	vshrl.u32 @!p5 v7, $0x3  }
0x197: {  	v5 =	vperm.xlane @!p5 v5, v6;
	v6 =	vmul.u32 @!p5 $0x8, v7;
	_ =	sdelay $0x1  }
0x198: {  	v5 =	vadd.s32 @!p5 v6, v5;
	_ =	sdelay $0x3  }
0x199: {  	vm1 =	vmmov @!p5 $0xffff;
	s16 =	simm.s32 @!p5 $0x10800;
	s2 =	simm.s32 @!p5 $0x0  }
0x19a: {  	[tilespmem:s16], [sflag:$0x4] =	stream.indirect_vreg.gather @!p5 [hbm4b:s0+s2], $0x80, v5, vm1, $0xb8;
	[tilespmem:$0x18D80] =	vst v63  }
0x19b: {  	s16 =	simm.s32 @!p5 $0x11000  }
0x19c: {  	[tilespmem:s16], [sflag:$0x4] =	stream.indirect_vreg.gather @!p5 [hbm4b:s11+s2], $0x80, v5, vm1, $0xb8;
	[tilespmem:$0x18D80] =	vst v63  }
0x19d: {  	s16 =	simm.s32 @!p5 $0x11800  }
0x19e: {  	[tilespmem:s16], [sflag:$0x4] =	stream.indirect_vreg.gather @!p5 [hbm4b:s12+s2], $0x80, v5, vm1, $0xb8;
	[tilespmem:$0x18D80] =	vst v63  }
0x19f: {  	s16 =	simm.s32 @!p5 $0x12000  }
0x1a0: {  	[tilespmem:s16], [sflag:$0x4] =	stream.indirect_vreg.gather @!p5 [hbm4b:s13+s2], $0x80, v5, vm1, $0xb8;
	[tilespmem:$0x18D80] =	vst v63  }
0x1a1: {  	s19 =	sadd.s32 $0x4, s19;
	s3 =	rddreg [dreg:$0x9];
	s16 =	simm.s32 @!p5 $0x12800  }
0x1a2: {  	[tilespmem:s16], [sflag:$0x4] =	stream.indirect_vreg.gather @!p5 [hbm4b:s14+s2], $0x80, v5, vm1, $0xb8;
	[tilespmem:$0x18D80] =	vst v63  }
0x1a3: {  	p0 =	sne.s32 s3, s19;
	s16 =	simm.s32 @!p5 $0x13000  }
0x1a4: {  	[tilespmem:s16], [sflag:$0x4] =	stream.indirect_vreg.gather @!p5 [hbm4b:s15+s2], $0x80, v5, vm1, $0xb8;
	[tilespmem:$0x18D80] =	vst v63  }
.Ltmp8:
0x1a5: {  	_ = 	snop;
	(pc) =	sbr.rel @p0 .LBB2_12-.Ltmp8, $4  }
0x1a6: {  	s24 =	sadd.s32 $0x2000, s24;
	s22 =	sadd.s32 $0x2000, s22;
	s16 =	simm.s32 @!p5 $0x13800  }
0x1a7: {  	[tilespmem:s16], [sflag:$0x4] =	stream.indirect_vreg.gather @!p5 [hbm4b:s17+s2], $0x80, v5, vm1, $0xb8;
	[tilespmem:$0x18D80] =	vst v63  }
0x1a8: {  	s21 =	sadd.s32 $0x2000, s21;
	s20 =	sadd.s32 $0x20, s20;
	s16 =	simm.s32 @!p5 $0x14000  }
0x1a9: {  	[tilespmem:s16], [sflag:$0x4] =	stream.indirect_vreg.gather @!p5 [hbm4b:s18+s2], $0x80, v5, vm1, $0xb8;
	[tilespmem:$0x18D80] =	vst v63  }
.LBB2_13:
0x1aa: {  	s2 =	simm.s32 @!p1 $0x5  }
0x1ab: {  	_ =	swait.ge @!p1 [sflag:s2], $0x4000  }
0x1ac: {  	[sflag:s2] =	ssyncset.done @!p1 $0x0  }
0x1ad: {  	[sflag:s2] =	ssyncadd.s32 @!p1 $0xFFFFC000;
	s2 =	simm.s32 @p4 $0x6  }
0x1ae: {  	_ =	swait.ge @p4 [sflag:s2], $0x4000  }
0x1af: {  	[sflag:s2] =	ssyncset.done @p4 $0x0  }
0x1b0: {  	[sflag:s2] =	ssyncadd.s32 @p4 $0xFFFFC000;
	s2 =	simm.s32 @p2 $0x7  }
0x1b1: {  	p1 =	slt.s32 s5, $0x1;
	_ =	swait.ge @p2 [sflag:s2], $0x4000  }
.Ltmp9:
0x1b2: {  	[sflag:s2] =	ssyncset.done @p2 $0x0;
	(pc) =	sbr.rel @p1 .LBB2_17-.Ltmp9, $4  }
0x1b3: {  	[sflag:s2] =	ssyncadd.s32 @p2 $0xFFFFC000;
	s2 =	simm.s32 @p3 $0x8  }
0x1b4: {  	_ =	swait.ge @p3 [sflag:s2], $0x4000  }
0x1b5: {  	[sflag:s2] =	ssyncset.done @p3 $0x0  }
0x1b6: {  	[sflag:s2] =	ssyncadd.s32 @p3 $0xFFFFC000  }
0x1b7: {  	v5 =	vld.msk [tilespmem:s9+$0x4580], $0xff;
	_ =	sdelay $0x4  }
0x1b8: {  	v6 =	vshll.u32 v5, $0x4  }
0x1b9: {  	v5 =	vand.u32 $0x7, v5;
	v6 =	vand.u32 $0xFFFFFF80, v6  }
0x1ba: {  	v5 =	vor.u32 v5, v6  }
0x1bb: {  	v5 =	vperm.xlane v5, v3;
	_ =	sdelay $0x1  }
0x1bc: {  	v5 =	vadd.s32 v4, v5;
	_ =	sdelay $0x3  }
0x1bd: {  	s2 =	simm.s32 $0x0;
	s3 =	simm.s32 $0x4800  }
0x1be: {  	[tilespmem:s3], [sflag:$0x1] =	stream.indirect_vreg.gather [hbm4b:s0+s2], $0x80, v5, vm0, $0xb8;
	[tilespmem:$0x18D80] =	vst v63  }
0x1bf: {  	s19 =	simm.s32 $0x5000  }
0x1c0: {  	[tilespmem:s19], [sflag:$0x1] =	stream.indirect_vreg.gather [hbm4b:s11+s2], $0x80, v5, vm0, $0xb8;
	[tilespmem:$0x18D80] =	vst v63  }
0x1c1: {  	s20 =	simm.s32 $0x5800  }
0x1c2: {  	[tilespmem:s20], [sflag:$0x1] =	stream.indirect_vreg.gather [hbm4b:s12+s2], $0x80, v5, vm0, $0xb8;
	[tilespmem:$0x18D80] =	vst v63  }
0x1c3: {  	s21 =	simm.s32 $0x6000  }
0x1c4: {  	[tilespmem:s21], [sflag:$0x1] =	stream.indirect_vreg.gather [hbm4b:s13+s2], $0x80, v5, vm0, $0xb8;
	[tilespmem:$0x18D80] =	vst v63  }
0x1c5: {  	s22 =	simm.s32 $0x6800  }
0x1c6: {  	[tilespmem:s22], [sflag:$0x1] =	stream.indirect_vreg.gather [hbm4b:s14+s2], $0x80, v5, vm0, $0xb8;
	[tilespmem:$0x18D80] =	vst v63  }
0x1c7: {  	s24 =	simm.s32 $0x7000  }
0x1c8: {  	[tilespmem:s24], [sflag:$0x1] =	stream.indirect_vreg.gather [hbm4b:s15+s2], $0x80, v5, vm0, $0xb8;
	[tilespmem:$0x18D80] =	vst v63  }
0x1c9: {  	s31 =	simm.s32 $0x7800  }
0x1ca: {  	[tilespmem:s31], [sflag:$0x1] =	stream.indirect_vreg.gather [hbm4b:s17+s2], $0x80, v5, vm0, $0xb8;
	[tilespmem:$0x18D80] =	vst v63  }
0x1cb: {  	s16 =	simm.s32 $0x8000;
	p0 =	sgt.s32 s5, $0x0;
	s19 =	rddreg [dreg:$0xb]  }
0x1cc: {  	[tilespmem:s16], [sflag:$0x1] =	stream.indirect_vreg.gather [hbm4b:s18+s2], $0x80, v5, vm0, $0xb8;
	[tilespmem:$0x18D80] =	vst v63  }
0x1cd: {  	s20 =	simm.s32 $0x1;
	s2 =	sadd.s32 s19, s9;
	s9 =	simm.s32 $0x4800  }
0x1ce: {  	_ =	swait.ge [sflag:s20], $0x4000;
	s2 =	sshll.u32 s2, $0x8;
	s9 =	simm.s32 @!p0 $0x14800  }
0x1cf: {  	[sflag:s20] =	ssyncset.done $0x0;
	s2 =	sand.u32 $0x1FFFFF00, s2;
	s19 =	sadd.s32 $0x3C00, s9  }
0x1d0: {  	[sflag:s20] =	ssyncadd.s32 $0xFFFFC000;
	s22 =	sadd.s32 s2, s4;
	s21 =	sadd.s32 $0xFFFFC400, s19  }
0x1d1: {  	[hbm4b:s22+s7] =	stream.linear.scatter [tilespmem:s21], [sflag:$0xB], $0x80, $0x38;
	[tilespmem:$0x18D80] =	vst v63  }
0x1d2: {  	s9 =	sadd.s32 $0xFFFFC800, s19;
	s24 =	sadd.s32 $0x80, s22  }
0x1d3: {  	[hbm4b:s24+s7] =	stream.linear.scatter [tilespmem:s9], [sflag:$0xB], $0x80, $0x38;
	[tilespmem:$0x18D80] =	vst v63  }
0x1d4: {  	s3 =	sadd.s32 $0xFFFFCC00, s19;
	s31 =	sadd.s32 $0x100, s22  }
0x1d5: {  	[hbm4b:s31+s7] =	stream.linear.scatter [tilespmem:s3], [sflag:$0xB], $0x80, $0x38;
	[tilespmem:$0x18D80] =	vst v63  }
0x1d6: {  	s20 =	sadd.s32 $0xFFFFD000, s19;
	s16 =	sadd.s32 $0x180, s22  }
0x1d7: {  	[hbm4b:s16+s7] =	stream.linear.scatter [tilespmem:s20], [sflag:$0xB], $0x80, $0x38;
	[tilespmem:$0x18D80] =	vst v63  }
0x1d8: {  	s21 =	sadd.s32 $0x200, s22;
	s24 =	sadd.s32 $0xFFFFD400, s19  }
0x1d9: {  	[hbm4b:s21+s7] =	stream.linear.scatter [tilespmem:s24], [sflag:$0xB], $0x80, $0x38;
	[tilespmem:$0x18D80] =	vst v63  }
0x1da: {  	s31 =	sadd.s32 $0xFFFFD800, s19;
	s3 =	sadd.s32 $0x280, s22  }
0x1db: {  	[hbm4b:s3+s7] =	stream.linear.scatter [tilespmem:s31], [sflag:$0xB], $0x80, $0x38;
	[tilespmem:$0x18D80] =	vst v63  }
0x1dc: {  	s16 =	sadd.s32 $0xFFFFDC00, s19;
	s20 =	sadd.s32 $0x300, s22  }
0x1dd: {  	[hbm4b:s20+s7] =	stream.linear.scatter [tilespmem:s16], [sflag:$0xB], $0x80, $0x38;
	[tilespmem:$0x18D80] =	vst v63  }
0x1de: {  	s21 =	sadd.s32 $0xFFFFE000, s19;
	s24 =	sadd.s32 $0x380, s22  }
0x1df: {  	[hbm4b:s24+s7] =	stream.linear.scatter [tilespmem:s21], [sflag:$0xB], $0x80, $0x38;
	[tilespmem:$0x18D80] =	vst v63  }
0x1e0: {  	s31 =	sadd.s32 $0xFFFFE400, s19;
	s3 =	sadd.s32 $0x400, s22  }
0x1e1: {  	[hbm4b:s3+s7] =	stream.linear.scatter [tilespmem:s31], [sflag:$0xB], $0x80, $0x38;
	[tilespmem:$0x18D80] =	vst v63  }
0x1e2: {  	p3 =	sgt.s32 s5, $0x1;
	s16 =	sadd.s32 $0xFFFFE800, s19;
	s20 =	sadd.s32 $0x480, s22  }
0x1e3: {  	[hbm4b:s20+s7] =	stream.linear.scatter [tilespmem:s16], [sflag:$0xB], $0x80, $0x38;
	[tilespmem:$0x18D80] =	vst v63  }
0x1e4: {  	s2 =	sadd.s32 $0xFFFFFC00, s19;
	s21 =	sadd.s32 $0xFFFFEC00, s19;
	s24 =	sadd.s32 $0x500, s22  }
0x1e5: {  	[hbm4b:s24+s7] =	stream.linear.scatter [tilespmem:s21], [sflag:$0xB], $0x80, $0x38;
	[tilespmem:$0x18D80] =	vst v63  }
0x1e6: {  	s9 =	sadd.s32 $0xFFFFF400, s19;
	s31 =	sadd.s32 $0xFFFFF000, s19;
	s3 =	sadd.s32 $0x580, s22  }
0x1e7: {  	[hbm4b:s3+s7] =	stream.linear.scatter [tilespmem:s31], [sflag:$0xB], $0x80, $0x38;
	[tilespmem:$0x18D80] =	vst v63  }
0x1e8: {  	s20 =	simm.s32 $0xF200;
	s16 =	sadd.s32 $0x600, s22;
	s24 =	simm.s32 $0xF400  }
0x1e9: {  	[hbm4b:s16+s7] =	stream.linear.scatter [tilespmem:s9], [sflag:$0xB], $0x80, $0x38;
	[tilespmem:$0x18D80] =	vst v63  }
0x1ea: {  	s21 =	sadd.s32 $0xFFFFF800, s19;
	s31 =	sadd.s32 $0x680, s22;
	s16 =	sadd.s32 $0x780, s22  }
0x1eb: {  	[hbm4b:s31+s7] =	stream.linear.scatter [tilespmem:s21], [sflag:$0xB], $0x80, $0x38;
	[tilespmem:$0x18D80] =	vst v63  }
0x1ec: {  	s9 =	sadd.s32 $0x10, s22;
	s22 =	sadd.s32 $0x700, s22;
	s21 =	simm.s32 $0x1  }
.LBB2_15:
0x1ed: {  	[hbm4b:s22+s7] =	stream.linear.scatter [tilespmem:s2], [sflag:$0xB], $0x80, $0x38;
	[tilespmem:$0x18D80] =	vst v63  }
0x1ee: {  	s2 =	smov.u32 s24;
	s22 =	smov.u32 s9;
	s3 =	simm.s32 $0x4800  }
0x1ef: {  	s31 =	sadd.s32 $0x200, s24;
	s20 =	sshra.s32 s20, $0x2;
	s3 =	simm.s32 @!p3 $0x14800  }
0x1f0: {  	p2 =	sne.s32 s24, $0xFE00;
	s3 =	sadd.s32 s20, s3;
	s20 =	smov.u32 s2  }
0x1f1: {  	[hbm4b:s16+s7] =	stream.linear.scatter [tilespmem:s19], [sflag:$0xB], $0x80, $0x38;
	[tilespmem:$0x18D80] =	vst v63  }
0x1f2: {  	s2 =	sadd.s32 $0xFFFFC400, s3;
	s19 =	smov.u32 s3  }
0x1f3: {  	[hbm4b:s9+s7] =	stream.linear.scatter [tilespmem:s2], [sflag:$0xB], $0x80, $0x38;
	[tilespmem:$0x18D80] =	vst v63  }
0x1f4: {  	s3 =	sadd.s32 $0xFFFFC800, s19;
	s2 =	sadd.s32 $0x80, s9  }
0x1f5: {  	[hbm4b:s2+s7] =	stream.linear.scatter [tilespmem:s3], [sflag:$0xB], $0x80, $0x38;
	[tilespmem:$0x18D80] =	vst v63  }
0x1f6: {  	s2 =	sadd.s32 $0x100, s9;
	s3 =	sadd.s32 $0xFFFFCC00, s19  }
0x1f7: {  	[hbm4b:s2+s7] =	stream.linear.scatter [tilespmem:s3], [sflag:$0xB], $0x80, $0x38;
	[tilespmem:$0x18D80] =	vst v63  }
0x1f8: {  	s2 =	sadd.s32 $0x180, s9;
	s3 =	sadd.s32 $0xFFFFD000, s19  }
0x1f9: {  	[hbm4b:s2+s7] =	stream.linear.scatter [tilespmem:s3], [sflag:$0xB], $0x80, $0x38;
	[tilespmem:$0x18D80] =	vst v63  }
0x1fa: {  	s2 =	sadd.s32 $0x200, s9;
	s3 =	sadd.s32 $0xFFFFD400, s19  }
0x1fb: {  	[hbm4b:s2+s7] =	stream.linear.scatter [tilespmem:s3], [sflag:$0xB], $0x80, $0x38;
	[tilespmem:$0x18D80] =	vst v63  }
0x1fc: {  	s2 =	sadd.s32 $0xFFFFD800, s19;
	s3 =	sadd.s32 $0x280, s9  }
0x1fd: {  	[hbm4b:s3+s7] =	stream.linear.scatter [tilespmem:s2], [sflag:$0xB], $0x80, $0x38;
	[tilespmem:$0x18D80] =	vst v63  }
0x1fe: {  	s2 =	sadd.s32 $0xFFFFDC00, s19;
	s3 =	sadd.s32 $0x300, s9  }
0x1ff: {  	[hbm4b:s3+s7] =	stream.linear.scatter [tilespmem:s2], [sflag:$0xB], $0x80, $0x38;
	[tilespmem:$0x18D80] =	vst v63  }
0x200: {  	s2 =	sadd.s32 $0xFFFFE000, s19;
	s3 =	sadd.s32 $0x380, s9  }
0x201: {  	[hbm4b:s3+s7] =	stream.linear.scatter [tilespmem:s2], [sflag:$0xB], $0x80, $0x38;
	[tilespmem:$0x18D80] =	vst v63  }
0x202: {  	s2 =	sadd.s32 $0xFFFFE400, s19;
	s3 =	sadd.s32 $0x400, s9  }
0x203: {  	[hbm4b:s3+s7] =	stream.linear.scatter [tilespmem:s2], [sflag:$0xB], $0x80, $0x38;
	[tilespmem:$0x18D80] =	vst v63  }
0x204: {  	s21 =	sadd.s32 $0x1, s21;
	s2 =	sadd.s32 $0xFFFFE800, s19;
	s3 =	sadd.s32 $0x480, s9  }
0x205: {  	[hbm4b:s3+s7] =	stream.linear.scatter [tilespmem:s2], [sflag:$0xB], $0x80, $0x38;
	[tilespmem:$0x18D80] =	vst v63  }
0x206: {  	s16 =	sadd.s32 $0x780, s9;
	s2 =	sadd.s32 $0xFFFFEC00, s19;
	s3 =	sadd.s32 $0x500, s9  }
0x207: {  	[hbm4b:s3+s7] =	stream.linear.scatter [tilespmem:s2], [sflag:$0xB], $0x80, $0x38;
	[tilespmem:$0x18D80] =	vst v63  }
0x208: {  	s2 =	sadd.s32 $0xFFFFF000, s19;
	s3 =	sadd.s32 $0x580, s9;
	s9 =	sadd.s32 $0x10, s9  }
0x209: {  	[hbm4b:s3+s7] =	stream.linear.scatter [tilespmem:s2], [sflag:$0xB], $0x80, $0x38;
	[tilespmem:$0x18D80] =	vst v63  }
.Ltmp10:
0x20a: {  	s2 =	sadd.s32 $0xFFFFF400, s19;
	s3 =	sadd.s32 $0x600, s22;
	(pc) =	sbr.rel @p2 .LBB2_15-.Ltmp10, $4  }
0x20b: {  	[hbm4b:s3+s7] =	stream.linear.scatter [tilespmem:s2], [sflag:$0xB], $0x80, $0x38;
	[tilespmem:$0x18D80] =	vst v63  }
0x20c: {  	p3 =	slt.s32 s21, s5;
	s2 =	sadd.s32 $0xFFFFF800, s19;
	s3 =	sadd.s32 $0x680, s22  }
0x20d: {  	[hbm4b:s3+s7] =	stream.linear.scatter [tilespmem:s2], [sflag:$0xB], $0x80, $0x38;
	[tilespmem:$0x18D80] =	vst v63  }
0x20e: {  	s24 =	smov.u32 s31;
	s22 =	sadd.s32 $0x700, s22;
	s2 =	sadd.s32 $0xFFFFFC00, s19  }
0x20f: {  	[hbm4b:s22+s7] =	stream.linear.scatter [tilespmem:s2], [sflag:$0xB], $0x80, $0x38;
	[tilespmem:$0x18D80] =	vst v63  }
0x210: {  	s2 =	simm.s32 $0x4800  }
0x211: {  	s3 =	sshra.s32 s20, $0x2;
	s2 =	simm.s32 @!p3 $0x14800  }
0x212: {  	s2 =	sadd.s32 s3, s2  }
0x213: {  	[hbm4b:s16+s7] =	stream.linear.scatter [tilespmem:s19], [sflag:$0xB], $0x80, $0x38;
	[tilespmem:$0x18D80] =	vst v63  }
0x214: {  	s3 =	sadd.s32 $0xFFFFC400, s2  }
0x215: {  	[hbm4b:s9+s7] =	stream.linear.scatter [tilespmem:s3], [sflag:$0xB], $0x80, $0x38;
	[tilespmem:$0x18D80] =	vst v63  }
0x216: {  	s21 =	sadd.s32 $0x80, s9;
	s22 =	sadd.s32 $0xFFFFC800, s2  }
0x217: {  	[hbm4b:s21+s7] =	stream.linear.scatter [tilespmem:s22], [sflag:$0xB], $0x80, $0x38;
	[tilespmem:$0x18D80] =	vst v63  }
0x218: {  	s24 =	sadd.s32 $0x100, s9;
	s31 =	sadd.s32 $0xFFFFCC00, s2  }
0x219: {  	[hbm4b:s24+s7] =	stream.linear.scatter [tilespmem:s31], [sflag:$0xB], $0x80, $0x38;
	[tilespmem:$0x18D80] =	vst v63  }
0x21a: {  	s19 =	sadd.s32 $0x180, s9;
	s20 =	sadd.s32 $0xFFFFD000, s2  }
0x21b: {  	[hbm4b:s19+s7] =	stream.linear.scatter [tilespmem:s20], [sflag:$0xB], $0x80, $0x38;
	[tilespmem:$0x18D80] =	vst v63  }
0x21c: {  	s21 =	sadd.s32 $0x200, s9;
	s22 =	sadd.s32 $0xFFFFD400, s2  }
0x21d: {  	[hbm4b:s21+s7] =	stream.linear.scatter [tilespmem:s22], [sflag:$0xB], $0x80, $0x38;
	[tilespmem:$0x18D80] =	vst v63  }
0x21e: {  	s24 =	sadd.s32 $0xFFFFD800, s2;
	s31 =	sadd.s32 $0x280, s9  }
0x21f: {  	[hbm4b:s31+s7] =	stream.linear.scatter [tilespmem:s24], [sflag:$0xB], $0x80, $0x38;
	[tilespmem:$0x18D80] =	vst v63  }
0x220: {  	s19 =	sadd.s32 $0xFFFFDC00, s2;
	s20 =	sadd.s32 $0x300, s9  }
0x221: {  	[hbm4b:s20+s7] =	stream.linear.scatter [tilespmem:s19], [sflag:$0xB], $0x80, $0x38;
	[tilespmem:$0x18D80] =	vst v63  }
0x222: {  	s21 =	sadd.s32 $0xFFFFE000, s2;
	s22 =	sadd.s32 $0x380, s9  }
0x223: {  	[hbm4b:s22+s7] =	stream.linear.scatter [tilespmem:s21], [sflag:$0xB], $0x80, $0x38;
	[tilespmem:$0x18D80] =	vst v63  }
0x224: {  	s24 =	sadd.s32 $0xFFFFE400, s2;
	s31 =	sadd.s32 $0x400, s9  }
0x225: {  	[hbm4b:s31+s7] =	stream.linear.scatter [tilespmem:s24], [sflag:$0xB], $0x80, $0x38;
	[tilespmem:$0x18D80] =	vst v63  }
0x226: {  	s19 =	sadd.s32 $0xFFFFE800, s2;
	s20 =	sadd.s32 $0x480, s9  }
0x227: {  	[hbm4b:s20+s7] =	stream.linear.scatter [tilespmem:s19], [sflag:$0xB], $0x80, $0x38;
	[tilespmem:$0x18D80] =	vst v63  }
0x228: {  	s21 =	sadd.s32 $0xFFFFEC00, s2;
	s22 =	sadd.s32 $0x500, s9  }
0x229: {  	[hbm4b:s22+s7] =	stream.linear.scatter [tilespmem:s21], [sflag:$0xB], $0x80, $0x38;
	[tilespmem:$0x18D80] =	vst v63  }
0x22a: {  	s24 =	sadd.s32 $0xFFFFF000, s2;
	s31 =	sadd.s32 $0x580, s9  }
0x22b: {  	[hbm4b:s31+s7] =	stream.linear.scatter [tilespmem:s24], [sflag:$0xB], $0x80, $0x38;
	[tilespmem:$0x18D80] =	vst v63  }
0x22c: {  	s16 =	sadd.s32 $0xFFFFF400, s2;
	s19 =	sadd.s32 $0x600, s9  }
0x22d: {  	[hbm4b:s19+s7] =	stream.linear.scatter [tilespmem:s16], [sflag:$0xB], $0x80, $0x38;
	[tilespmem:$0x18D80] =	vst v63  }
0x22e: {  	s20 =	sadd.s32 $0xFFFFF800, s2;
	s21 =	sadd.s32 $0x680, s9  }
0x22f: {  	[hbm4b:s21+s7] =	stream.linear.scatter [tilespmem:s20], [sflag:$0xB], $0x80, $0x38;
	[tilespmem:$0x18D80] =	vst v63  }
0x230: {  	s22 =	sadd.s32 $0xFFFFFC00, s2;
	s24 =	sadd.s32 $0x700, s9  }
0x231: {  	[hbm4b:s24+s7] =	stream.linear.scatter [tilespmem:s22], [sflag:$0xB], $0x80, $0x38;
	[tilespmem:$0x18D80] =	vst v63  }
0x232: {  	s31 =	sadd.s32 $0x780, s9  }
0x233: {  	[hbm4b:s31+s7] =	stream.linear.scatter [tilespmem:s2], [sflag:$0xB], $0x80, $0x38;
	[tilespmem:$0x18D80] =	vst v63  }
.LBB2_17:
0x234: {  	p0 =	sgt.s32 s5, $0x0;
	s22 =	rddreg [dreg:$0x12]  }
0x235: {  	s2 =	simm.s32 $0x1;
	s3 =	sshll.u32 s25, $0xB;
	s24 =	rddreg [dreg:$0xc]  }
0x236: {  	s16 =	sshll.u32 s10, $0xB;
	s31 =	rddreg [dreg:$0xf];
	s20 =	simm.s32 $0x0  }
.Ltmp11:
0x237: {  	s2 =	simm.s32 @!p0 $0x0;
	s19 =	sadd.s32 s25, s24;
	(pc) =	sbr.rel .LBB2_18-.Ltmp11, $4  }
0x238: {  	s9 =	sadd.s32 s3, s22;
	s3 =	sadd.s32 s3, s31;
	s25 =	sadd.s32 s10, s19  }
0x239: {  	s5 =	sadd.s32 s2, s26;
	s26 =	sshll.u32 s2, $0xB;
	s2 =	sadd.s32 s2, s25  }
0x23a: {  	s9 =	sadd.s32 s16, s9;
	s3 =	sadd.s32 s16, s3;
	s2 =	sshll.u32 s2, $0xB  }
0x23b: {  	s9 =	sadd.s32 s26, s9;
	s19 =	sadd.s32 s26, s3;
	s10 =	sadd.s32 s2, s4  }
.LBB2_23:
0x23c: {  	_ =	swait.ge [sflag:s1], $0x4000  }
0x23d: {  	[sflag:s1] =	ssyncset.done $0x0  }
0x23e: {  	[sflag:s1] =	ssyncadd.s32 $0xFFFFC000  }
.LBB2_24:
0x23f: {  	s20 =	sadd.s32 $0x2000, s20  }
0x240: {  	p0 =	sne.s32 s20, $0x28000  }
.Ltmp12:
0x241: {  	_ = 	snop;
	(pc) =	sbr.rel @!p0 .LBB2_25-.Ltmp12, $2  }
0x242: {  	_ =	sdelay $0x2  }
0x243: {  	s5 =	sadd.s32 $0x4, s5  }
.LBB2_18:
0x244: {  	p0 =	sgt.s32 s5, $0x4F  }
.Ltmp13:
0x245: {  	_ = 	snop;
	(pc) =	sbr.rel @p0 .LBB2_24-.Ltmp13, $1  }
0x246: {  	_ =	sdelay $0x3  }
0x247: {  	p0 =	seq.s32 s5, $0x4F  }
.Ltmp14:
0x248: {  	_ = 	snop;
	(pc) =	sbr.rel @p0 .LBB2_23-.Ltmp14, $4  }
0x249: {  	s2 =	sadd.s32 s20, s19  }
0x24a: {  	s2 =	sand.u32 $0x1FFFF800, s2  }
0x24b: {  	s2 =	sadd.s32 s4, s2  }
0x24c: {  	[hbm4b:s2+s7] =	stream.linear.scatter [tilespmem:s29], [sflag:$0x9], $0x4000, $0x38;
	[tilespmem:$0x18D80] =	vst v63  }
0x24d: {  	s2 =	sadd.s32 s20, s10  }
0x24e: {  	p2 =	sgt.s32 s5, $0x4D;
	s2 =	sadd.s32 $0x800, s2  }
0x24f: {  	[hbm4b:s2+s7] =	stream.linear.scatter [tilespmem:s29], [sflag:$0x9], $0x4000, $0x38;
	[tilespmem:$0x18D80] =	vst v63  }
0x250: {  	s3 =	simm.s32 @!p2 $0x0;
	p0 =	seq.s32 @!p2 s5, $0x4D;
	s2 =	sadd.s32 @!p2 s20, s9  }
0x251: {  	s16 =	simm.s32 @!p2 $0x14800;
	p3 =	por p0, p2;
	s2 =	sadd.s32 @!p2 $0x1000, s2  }
0x252: {  	[hbm4b:s2+s3] =	stream.linear.scatter @!p2 [tilespmem:s16], [sflag:$0x9], $0x4000, $0x38;
	[tilespmem:$0x18D80] =	vst v63  }
0x253: {  	s2 =	sadd.s32 @!p3 s20, s9  }
0x254: {  	s3 =	simm.s32 @!p3 $0x0;
	s16 =	simm.s32 @!p3 $0x14800;
	s2 =	sadd.s32 @!p3 $0x1800, s2  }
0x255: {  	[hbm4b:s2+s3] =	stream.linear.scatter @!p3 [tilespmem:s16], [sflag:$0x9], $0x4000, $0x38;
	[tilespmem:$0x18D80] =	vst v63  }
0x256: {  	_ =	swait.ge [sflag:s1], $0x4000  }
.Ltmp15:
0x257: {  	[sflag:s1] =	ssyncset.done $0x0;
	(pc) =	sbr.rel @p2 .LBB2_22-.Ltmp15, $4  }
0x258: {  	p4 =	por @!p2 $0x0, $0x0;
	[sflag:s1] =	ssyncadd.s32 $0xFFFFC000  }
0x259: {  	p0 =	por !p0, p2;
	p5 =	por @!p3 $0x1, $0x1;
	_ =	swait.ge [sflag:s1], $0x4000  }
0x25a: {  	p5 =	por @!p0 p4, p4;
	p3 =	por $0x0, $0x0;
	[sflag:s1] =	ssyncset.done $0x0  }
0x25b: {  	p3 =	por @!p2 p5, p5;
	[sflag:s1] =	ssyncadd.s32 $0xFFFFC000  }
.Ltmp16:
0x25c: {  	(pc) =	sbr.rel @p3 .LBB2_23-.Ltmp16, $4  }
.Ltmp17:
0x25d: {  	(pc) =	sbr.rel @!p3 .LBB2_24-.Ltmp17, $4  }
0x25e: {  	_ =	swait.ge [sflag:s1], $0x4000  }
0x25f: {  	[sflag:s1] =	ssyncset.done $0x0  }
0x260: {  	[sflag:s1] =	ssyncadd.s32 $0xFFFFC000  }
0x261: {  	_ = 	snop  }
.LBB2_22:
.Ltmp18:
0x262: {  	(pc) =	sbr.rel @!p3 .LBB2_24-.Ltmp18, $4  }
.Ltmp19:
0x263: {  	(pc) =	sbr.rel @p3 .LBB2_23-.Ltmp19, $4  }
0x264: {  	_ = 	snop  }
0x265: {  	_ = 	snop  }
0x266: {  	_ = 	snop  }
0x267: {  	_ = 	snop  }
.LBB2_26:
0x268: {  	_ =	sfence.sel $0x180000  }
0x269: {  	[bflag:$0x0] =	sbarrier.arrive $0xFFFF  }
0x26a: {  	_ =	strace $0x90000047  }
0x26b: {  	s0 =	stileid.u32;
	[bflag:$0x2] =	sbarrier.arrive $0xFFFF  }
0x26c: {  	p0 =	sne.s32 s0, $0x0;
	s0 =	rddreg [dreg:$0x8]  }
0x26d: {  	s0 =	sadd.s32 @!p0 $0x100000, s0  }
0x26e: {  	[sflag:s0] =	ssyncadd.tile.s32 @!p0 $0x1;
	_ =	shalt  }
.Lfunc_end2:
_tile_overlayer_lowered:
.L_overlay_start_2:
0x26f: {  	(tag) =	ssettag $0x2  }
0x270: {  	s0 =	rddreg [dreg:$0x0];
	s2 =	stileid.u32  }
0x271: {  	s1 =	rddreg [dreg:$0x1];
	p0 =	sne.s32 s2, $0x0  }
0x272: {  	s3 =	rddreg [dreg:$0x2];
	[bflag:$0x3] =	sbarrier.arrive $0xFFFF;
	s2 =	simm.s32 @!p0 $0x1C0C  }
0x273: {  	[timem:s3], [sflag:s2] =	dma.local @!p0 [hbm:s0], s1  }
0x274: {  	s0 =	simm.s32 @!p0 $0xC  }
0x275: {  	_ =	swait.ge @!p0 [sflag:s0], s1  }
0x276: {  	s1 =	ssub.s32 @!p0 $0x0, s1;
	[sflag:s0] =	ssyncset.done @!p0 $0x0  }
0x277: {  	[sflag:s0] =	ssyncadd.s32 @!p0 s1  }
0x278: {  	[bflag:$0x3] =	sbarrier.arrive $0xFFFF  }
0x279: {  	_ =	shalt  }

</sc_bundles>
